<compile_context>
chip_gen: v7x
topology: tpu7x:2x2x1
jax: 0.10.2.dev20260603
libtpu: 0.0.44.dev20260713+nightly
codegen_flags: <defaults>
</compile_context>

<pallas_src>
import functools

import jax
import jax.numpy as jnp
from jax import lax
from jax.experimental import pallas as pl
from jax.experimental.pallas import tpu as pltpu
from jax.experimental.pallas import tpu_sc as plsc

NC = 2
NS = 16
L = 16
CB = 128


def _project_body(w_ref, e_ref, o0_ref, o1_ref):
    r = lax.dot_general(
        w_ref[...], e_ref[...], (((1,), (0,)), ((), ())),
        preferred_element_type=jnp.float32,
        precision=lax.Precision.HIGHEST)
    o0_ref[...] = r[0]
    o1_ref[...] = r[1]


def _project_table(Wp8, et):
    V = et.shape[1]
    C = 50176
    grid = pl.cdiv(V, C)
    return pl.pallas_call(
        _project_body,
        grid=(grid,),
        in_specs=[
            pl.BlockSpec((8, et.shape[0]), lambda i: (0, 0)),
            pl.BlockSpec((et.shape[0], C), lambda i: (0, i)),
        ],
        out_specs=[
            pl.BlockSpec((C,), lambda i: (i,)),
            pl.BlockSpec((C,), lambda i: (i,)),
        ],
        out_shape=[
            jax.ShapeDtypeStruct((V,), jnp.float32),
            jax.ShapeDtypeStruct((V,), jnp.float32),
        ],
    )(Wp8, et)


def _epilogue_body(a_ref, bias_ref, o_ref):
    z = a_ref[...] + bias_ref[...]
    s = jax.nn.sigmoid(z)
    m = jnp.max(s, axis=0, keepdims=True)
    lse = m + jnp.log(jnp.sum(jnp.exp(s - m), axis=0, keepdims=True))
    o_ref[...] = s - lse


def _epilogue(acc2, bias_col):
    B = acc2.shape[1]
    BLK = 4096
    return pl.pallas_call(
        _epilogue_body,
        grid=(B // BLK,),
        in_specs=[
            pl.BlockSpec((2, BLK), lambda i: (0, i)),
            pl.BlockSpec((2, 1), lambda i: (0, 0)),
        ],
        out_specs=pl.BlockSpec((2, BLK), lambda i: (0, i)),
        out_shape=jax.ShapeDtypeStruct((2, B), jnp.float32),
    )(acc2, bias_col)


def _make_sc_sum(S, B):
    NW = NC * NS
    BPW = B // NW
    NCHUNK = BPW // CB
    mesh = plsc.VectorSubcoreMesh(
        core_axis_name="c", subcore_axis_name="s",
        num_cores=NC, num_subcores=NS)

    NB = 8

    @functools.partial(
        pl.kernel,
        out_type=jax.ShapeDtypeStruct((2, B), jnp.float32),
        mesh=mesh,
        compiler_params=pltpu.CompilerParams(use_tc_tiling_on_sc=False),
        scratch_types=[
            pltpu.VMEM((S, BPW), jnp.int32),
            pltpu.VMEM((NB, CB), jnp.float32),
            pltpu.VMEM((NB, CB), jnp.float32),
            pltpu.VMEM((BPW,), jnp.float32),
            pltpu.VMEM((BPW,), jnp.float32),
            pltpu.VMEM((2, L), jnp.float32),
            pltpu.SemaphoreType.DMA((NB,)),
            pltpu.SemaphoreType.DMA((NB,)),
        ],
    )
    def sc_sum(x_hbm, p0_hbm, p1_hbm, bias_hbm, out_hbm,
               idx_v, b0_v, b1_v, a0_v, a1_v, bv_v, sem0, sem1):
        wid = lax.axis_index("s") * NC + lax.axis_index("c")
        base = wid * BPW
        pltpu.sync_copy(x_hbm.at[:, pl.ds(base, BPW)], idx_v)
        pltpu.sync_copy(bias_hbm, bv_v)

        T = NCHUNK * S

        def islice(t):
            c = t // S
            s = t - c * S
            return idx_v.at[s, pl.ds(c * CB, CB)]

        def start(t):
            slot = lax.rem(t, NB)
            isl = islice(t)
            pltpu.async_copy(p0_hbm.at[isl], b0_v.at[slot], sem0.at[slot])
            pltpu.async_copy(p1_hbm.at[isl], b1_v.at[slot], sem1.at[slot])

        def prime(t, carry):
            start(t)
            return carry
        lax.fori_loop(0, NB, prime, 0)

        NR = CB // L
        zero16 = jnp.zeros((L,), jnp.float32)

        def chunk_body(c, carry):
            t0 = c * S

            def sbody(s, accs):
                a0s, a1s = accs
                t = t0 + s
                slot = lax.rem(t, NB)
                isl = islice(t)
                pltpu.make_async_copy(p0_hbm.at[isl], b0_v.at[slot],
                                      sem0.at[slot]).wait()
                a0s = tuple(a0s[r] + b0_v[slot, pl.ds(r * L, L)]
                            for r in range(NR))
                pltpu.make_async_copy(p1_hbm.at[isl], b1_v.at[slot],
                                      sem1.at[slot]).wait()
                a1s = tuple(a1s[r] + b1_v[slot, pl.ds(r * L, L)]
                            for r in range(NR))

                @pl.when(t + NB < T)
                def _():
                    start(t + NB)
                return (a0s, a1s)

            a0s, a1s = lax.fori_loop(
                0, S, sbody, ((zero16,) * NR, (zero16,) * NR))
            for r in range(NR):
                a0_v[pl.ds(c * CB + r * L, L)] = a0s[r]
                a1_v[pl.ds(c * CB + r * L, L)] = a1s[r]
            return carry
        lax.fori_loop(0, NCHUNK, chunk_body, 0)

        def finish(i, carry):
            sl = pl.ds(i * L, L)
            z0 = a0_v[sl] + bv_v[0]
            z1 = a1_v[sl] + bv_v[1]
            s0 = 1.0 / (1.0 + jnp.exp(-z0))
            s1 = 1.0 / (1.0 + jnp.exp(-z1))
            m = jnp.maximum(s0, s1)
            u = 1.0 + jnp.exp(jnp.minimum(s0, s1) - m)
            y = (u - 1.0) / (u + 1.0)
            y2 = y * y
            ln_u = 2.0 * y * (1.0 + y2 * (
                1.0 / 3.0 + y2 * (0.2 + y2 * (1.0 / 7.0 + y2 * (1.0 / 9.0)))))
            lse = m + ln_u
            a0_v[sl] = s0 - lse
            a1_v[sl] = s1 - lse
            return carry
        lax.fori_loop(0, BPW // L, finish, 0)

        pltpu.sync_copy(a0_v, out_hbm.at[0, pl.ds(base, BPW)])
        pltpu.sync_copy(a1_v, out_hbm.at[1, pl.ds(base, BPW)])

    return sc_sum


def kernel(x, embed_table, W, b):
    S, B = x.shape
    V, D = embed_table.shape
    O = W.shape[0]
    Wp8 = jnp.zeros((8, D), jnp.float32).at[:O, :].set(W)
    p0, p1 = _project_table(Wp8, embed_table.T)
    bvec = jnp.broadcast_to(b.reshape(O, 1), (O, L)).astype(jnp.float32)
    out2 = _make_sc_sum(S, B)(x.astype(jnp.int32), p0, p1, bvec)
    return out2.T

# --- scband reference (transcript-rebuilt; emitter-appended) ---
"""Pipeline reference for scband-cbow-26130581029528 (READ-ONLY COPY).

The authoritative reference and input builder live on the scoring server;
editing this copy changes nothing except your own understanding.
"""

import jax, jax.numpy as jnp
import numpy as np

VOCAB = 1000000
EMBED_DIM = 64
OUTPUT_DIM = 2
SEQ = 50
BATCH = 16384

def setup_inputs(seed: int = 0) -> dict:
    key = jax.random.key(seed)
    k1, k2, k3, k4 = jax.random.split(key, 4)
    x = jax.random.randint(k1, (SEQ, BATCH), 0, VOCAB, dtype=jnp.int64 if jax.config.jax_enable_x64 else jnp.int32)
    embed_table = jax.random.normal(k2, (VOCAB, EMBED_DIM), dtype=jnp.float32)
    # nn.Linear default init: U(-1/sqrt(fan_in), 1/sqrt(fan_in))
    bound = 1.0 / np.sqrt(EMBED_DIM)
    W = jax.random.uniform(k3, (OUTPUT_DIM, EMBED_DIM), minval=-bound, maxval=bound, dtype=jnp.float32)
    b = jax.random.uniform(k4, (OUTPUT_DIM,), minval=-bound, maxval=bound, dtype=jnp.float32)
    return {"x": x, "embed_table": embed_table, "W": W, "b": b}

def reference(x, embed_table, W, b):
    # x: [seq, batch] int; forward does x.t() -> [batch, seq]
    x_t = x.T
    x_embed = jnp.take(embed_table, x_t, axis=0)      # [batch, seq, dim] (SparseCore gather)
    x_flatten = jnp.sum(x_embed, axis=1)               # [batch, dim]
    out = x_flatten @ W.T + b                          # [batch, 2]
    out = jax.nn.sigmoid(out)
    return jax.nn.log_softmax(out, axis=-1)

if __name__ == "__main__":
    import jax
    _d = setup_inputs()
    print(jax.jit(kernel)(*tuple(_d.values())))

</pallas_src>

<mosaic_0001>
#map = affine_map<(d0, d1) -> (0, 0)>
#map1 = affine_map<(d0, d1) -> (0)>
module attributes {stable_mosaic.version = 14 : i64} {
  func.func @sc_sum(%arg0: i32, %arg1: i32, %arg2: memref<50x16384xi32, #tpu.memory_space<hbm>>, %arg3: memref<1000000xf32, #tpu.memory_space<hbm>>, %arg4: memref<1000000xf32, #tpu.memory_space<hbm>>, %arg5: memref<2x16xf32, #tpu.memory_space<hbm>>, %arg6: memref<2x16384xf32, #tpu.memory_space<hbm>>, %arg7: memref<50x512xi32, #tpu.memory_space<vmem>>, %arg8: memref<8x128xf32, #tpu.memory_space<vmem>>, %arg9: memref<8x128xf32, #tpu.memory_space<vmem>>, %arg10: memref<512xf32, #tpu.memory_space<vmem>>, %arg11: memref<512xf32, #tpu.memory_space<vmem>>, %arg12: memref<2x16xf32, #tpu.memory_space<vmem>>, %arg13: memref<8x!tpu.dma_semaphore, #tpu.memory_space<semaphore_mem>>, %arg14: memref<8x!tpu.dma_semaphore, #tpu.memory_space<semaphore_mem>>) attributes {dimension_semantics = [#tpu.dimension_semantics<core_parallel>, #tpu.dimension_semantics<subcore_parallel>], iteration_bounds = array<i64: 2, 16>, scalar_prefetch = 0 : i64, scratch_operands = 8 : i64, tpu.core_type = #tpu.core_type<sc_vector_subcore>, window_params = [{transform_indices = #map}, {transform_indices = #map1}, {transform_indices = #map1}, {transform_indices = #map}, {transform_indices = #map}]} {
    %mul3A = arith.constant 2 : i32
    %mul3A_0 = arith.muli %arg1, %mul3A : i32
    %add3A = arith.addi %mul3A_0, %arg0 : i32
    %mul3A_1 = arith.constant 512 : i32
    %mul3A_2 = arith.muli %add3A, %mul3A_1 : i32
    "tpu.region"() ({
      %run_scoped3A_22 = tpu.sem_alloc : memref<!tpu.dma_semaphore, #tpu.memory_space<semaphore_mem>>
      %dma_start3A = arith.constant 0 : i32
      %dma_start3A_23 = tpu.memref_slice %arg2[%dma_start3A, %mul3A_2] : memref<50x16384xi32, #tpu.memory_space<hbm>> -> memref<50x512xi32, #tpu.memory_space<hbm>>
      %dma_start3A_24 = arith.constant 0 : i32
      %dma_start3A_25 = tpu.memref_slice %arg2[%dma_start3A_24, %mul3A_2] : memref<50x16384xi32, #tpu.memory_space<hbm>> -> memref<50x512xi32, #tpu.memory_space<hbm>>
      tpu.enqueue_dma source(%dma_start3A_25 : memref<50x512xi32, #tpu.memory_space<hbm>>) target(%arg7 : memref<50x512xi32, #tpu.memory_space<vmem>>) target_semaphore(%run_scoped3A_22 : memref<!tpu.dma_semaphore, #tpu.memory_space<semaphore_mem>>)
      %dma_wait3A = arith.constant 0 : i32
      %dma_wait3A_26 = tpu.memref_slice %arg2[%dma_wait3A, %mul3A_2] : memref<50x16384xi32, #tpu.memory_space<hbm>> -> memref<50x512xi32, #tpu.memory_space<hbm>>
      %dma_wait3A_27 = arith.constant 0 : i32
      %dma_wait3A_28 = tpu.memref_slice %arg2[%dma_wait3A_27, %mul3A_2] : memref<50x16384xi32, #tpu.memory_space<hbm>> -> memref<50x512xi32, #tpu.memory_space<hbm>>
      tpu.wait_dma2 semaphore(%run_scoped3A_22 : memref<!tpu.dma_semaphore, #tpu.memory_space<semaphore_mem>>) src(%dma_wait3A_28 : memref<50x512xi32, #tpu.memory_space<hbm>>) dst(%arg7 : memref<50x512xi32, #tpu.memory_space<vmem>>)
      tpu.yield
    }) : () -> ()
    "tpu.region"() ({
      %run_scoped3A_22 = tpu.sem_alloc : memref<!tpu.dma_semaphore, #tpu.memory_space<semaphore_mem>>
      tpu.enqueue_dma source(%arg5 : memref<2x16xf32, #tpu.memory_space<hbm>>) target(%arg12 : memref<2x16xf32, #tpu.memory_space<vmem>>) target_semaphore(%run_scoped3A_22 : memref<!tpu.dma_semaphore, #tpu.memory_space<semaphore_mem>>)
      tpu.wait_dma2 semaphore(%run_scoped3A_22 : memref<!tpu.dma_semaphore, #tpu.memory_space<semaphore_mem>>) src(%arg5 : memref<2x16xf32, #tpu.memory_space<hbm>>) dst(%arg12 : memref<2x16xf32, #tpu.memory_space<vmem>>)
      tpu.yield
    }) : () -> ()
    %scan3A = arith.constant 0 : i32
    %scan3A_3 = arith.constant 0 : i32
    %scan3A_4 = arith.constant 8 : i32
    %scan3A_5 = arith.addi %scan3A_3, %scan3A_4 : i32
    %scan3A_6 = arith.constant 1 : i32
    scf.for %scan3A_22 = %scan3A_3 to %scan3A_5 step %scan3A_6  : i32 {
      %rem3A = arith.constant 8 : i32
      %rem3A_23 = arith.remsi %scan3A_22, %rem3A : i32
      %jit3A = arith.constant 50 : i32
      %div3A = arith.divsi %scan3A_22, %jit3A : i32
      %sign3A = arith.constant 0 : i32
      %sign3A_24 = arith.cmpi sgt, %scan3A_22, %sign3A : i32
      %sign3A_25 = arith.extui %sign3A_24 : i1 to i32
      %sign3A_26 = arith.constant 0 : i32
      %sign3A_27 = arith.cmpi slt, %scan3A_22, %sign3A_26 : i32
      %sign3A_28 = arith.extui %sign3A_27 : i1 to i32
      %sign3A_29 = arith.subi %sign3A_25, %sign3A_28 : i32
      %sign3A_30 = arith.constant 0 : i32
      %sign3A_31 = arith.cmpi sgt, %jit3A, %sign3A_30 : i32
      %sign3A_32 = arith.extui %sign3A_31 : i1 to i32
      %sign3A_33 = arith.constant 0 : i32
      %sign3A_34 = arith.cmpi slt, %jit3A, %sign3A_33 : i32
      %sign3A_35 = arith.extui %sign3A_34 : i1 to i32
      %sign3A_36 = arith.subi %sign3A_32, %sign3A_35 : i32
      %ne3A = arith.cmpi ne, %sign3A_29, %sign3A_36 : i32
      %rem3A_37 = arith.remsi %scan3A_22, %jit3A : i32
      %ne3A_38 = arith.constant 0 : i32
      %ne3A_39 = arith.cmpi ne, %rem3A_37, %ne3A_38 : i32
      %and3A = arith.andi %ne3A, %ne3A_39 : i1
      %sub3A = arith.constant 1 : i32
      %sub3A_40 = arith.subi %div3A, %sub3A : i32
      %select_n3A = arith.select %and3A, %sub3A_40, %div3A : i32
      %mul3A_41 = arith.constant 50 : i32
      %mul3A_42 = arith.muli %select_n3A, %mul3A_41 : i32
      %sub3A_43 = arith.subi %scan3A_22, %mul3A_42 : i32
      %mul3A_44 = arith.constant 128 : i32
      %mul3A_45 = arith.muli %select_n3A, %mul3A_44 : i32
      %dma_start3A = arith.constant 0 : i32
      %dma_start3A_46 = tpu.memref_slice %arg8[%rem3A_23, %dma_start3A] : memref<8x128xf32, #tpu.memory_space<vmem>> -> memref<1x128xf32, #tpu.memory_space<vmem>>
      %dma_start3A_47 = tpu.memref_squeeze %dma_start3A_46 : memref<1x128xf32, #tpu.memory_space<vmem>> -> memref<128xf32, #tpu.memory_space<vmem>>
      %dma_start3A_48 = tpu.memref_slice %arg7[%sub3A_43, %mul3A_45] : memref<50x512xi32, #tpu.memory_space<vmem>> -> memref<1x128xi32, #tpu.memory_space<vmem>>
      %dma_start3A_49 = tpu.memref_squeeze %dma_start3A_48 : memref<1x128xi32, #tpu.memory_space<vmem>> -> memref<128xi32, #tpu.memory_space<vmem>>
      %dma_start3A_50 = arith.constant 0 : i32
      %dma_start3A_51 = tpu.memref_slice %arg3[%dma_start3A_50] : memref<1000000xf32, #tpu.memory_space<hbm>> -> memref<1000000xf32, #tpu.memory_space<hbm>>
      %dma_start3A_52 = tpu.memref_slice %arg13[%rem3A_23] : memref<8x!tpu.dma_semaphore, #tpu.memory_space<semaphore_mem>> -> memref<1x!tpu.dma_semaphore, #tpu.memory_space<semaphore_mem>>
      %dma_start3A_53 = tpu.memref_squeeze %dma_start3A_52 : memref<1x!tpu.dma_semaphore, #tpu.memory_space<semaphore_mem>> -> memref<!tpu.dma_semaphore, #tpu.memory_space<semaphore_mem>>
      tpu.enqueue_indirect_dma source(%dma_start3A_51 : memref<1000000xf32, #tpu.memory_space<hbm>>) target(%dma_start3A_47 : memref<128xf32, #tpu.memory_space<vmem>>) offsets(%dma_start3A_49 : memref<128xi32, #tpu.memory_space<vmem>>) semaphore(%dma_start3A_53 : memref<!tpu.dma_semaphore, #tpu.memory_space<semaphore_mem>>)
      %dma_start3A_54 = arith.constant 0 : i32
      %dma_start3A_55 = tpu.memref_slice %arg9[%rem3A_23, %dma_start3A_54] : memref<8x128xf32, #tpu.memory_space<vmem>> -> memref<1x128xf32, #tpu.memory_space<vmem>>
      %dma_start3A_56 = tpu.memref_squeeze %dma_start3A_55 : memref<1x128xf32, #tpu.memory_space<vmem>> -> memref<128xf32, #tpu.memory_space<vmem>>
      %dma_start3A_57 = tpu.memref_slice %arg7[%sub3A_43, %mul3A_45] : memref<50x512xi32, #tpu.memory_space<vmem>> -> memref<1x128xi32, #tpu.memory_space<vmem>>
      %dma_start3A_58 = tpu.memref_squeeze %dma_start3A_57 : memref<1x128xi32, #tpu.memory_space<vmem>> -> memref<128xi32, #tpu.memory_space<vmem>>
      %dma_start3A_59 = arith.constant 0 : i32
      %dma_start3A_60 = tpu.memref_slice %arg4[%dma_start3A_59] : memref<1000000xf32, #tpu.memory_space<hbm>> -> memref<1000000xf32, #tpu.memory_space<hbm>>
      %dma_start3A_61 = tpu.memref_slice %arg14[%rem3A_23] : memref<8x!tpu.dma_semaphore, #tpu.memory_space<semaphore_mem>> -> memref<1x!tpu.dma_semaphore, #tpu.memory_space<semaphore_mem>>
      %dma_start3A_62 = tpu.memref_squeeze %dma_start3A_61 : memref<1x!tpu.dma_semaphore, #tpu.memory_space<semaphore_mem>> -> memref<!tpu.dma_semaphore, #tpu.memory_space<semaphore_mem>>
      tpu.enqueue_indirect_dma source(%dma_start3A_60 : memref<1000000xf32, #tpu.memory_space<hbm>>) target(%dma_start3A_56 : memref<128xf32, #tpu.memory_space<vmem>>) offsets(%dma_start3A_58 : memref<128xi32, #tpu.memory_space<vmem>>) semaphore(%dma_start3A_62 : memref<!tpu.dma_semaphore, #tpu.memory_space<semaphore_mem>>)
    }
    %scan3A_7 = arith.constant 8 : i32
    %broadcast_in_dim3A = arith.constant 0.000000e+00 : f32
    %broadcast_in_dim3A_8 = vector.broadcast %broadcast_in_dim3A : f32 to vector<16xf32>
    %scan3A_9 = arith.constant 0 : i32
    %scan3A_10 = arith.constant 0 : i32
    %scan3A_11 = arith.constant 4 : i32
    %scan3A_12 = arith.addi %scan3A_10, %scan3A_11 : i32
    %scan3A_13 = arith.constant 1 : i32
    scf.for %scan3A_22 = %scan3A_10 to %scan3A_12 step %scan3A_13  : i32 {
      %mul3A_23 = arith.constant 50 : i32
      %mul3A_24 = arith.muli %scan3A_22, %mul3A_23 : i32
      %scan3A_25 = arith.constant 0 : i32
      %scan3A_26 = arith.constant 50 : i32
      %scan3A_27 = arith.addi %scan3A_25, %scan3A_26 : i32
      %scan3A_28 = arith.constant 1 : i32
      %scan3A_29:16 = scf.for %scan3A_158 = %scan3A_25 to %scan3A_27 step %scan3A_28 iter_args(%scan3A_159 = %broadcast_in_dim3A_8, %scan3A_160 = %broadcast_in_dim3A_8, %scan3A_161 = %broadcast_in_dim3A_8, %scan3A_162 = %broadcast_in_dim3A_8, %scan3A_163 = %broadcast_in_dim3A_8, %scan3A_164 = %broadcast_in_dim3A_8, %scan3A_165 = %broadcast_in_dim3A_8, %scan3A_166 = %broadcast_in_dim3A_8, %scan3A_167 = %broadcast_in_dim3A_8, %scan3A_168 = %broadcast_in_dim3A_8, %scan3A_169 = %broadcast_in_dim3A_8, %scan3A_170 = %broadcast_in_dim3A_8, %scan3A_171 = %broadcast_in_dim3A_8, %scan3A_172 = %broadcast_in_dim3A_8, %scan3A_173 = %broadcast_in_dim3A_8, %scan3A_174 = %broadcast_in_dim3A_8) -> (vector<16xf32>, vector<16xf32>, vector<16xf32>, vector<16xf32>, vector<16xf32>, vector<16xf32>, vector<16xf32>, vector<16xf32>, vector<16xf32>, vector<16xf32>, vector<16xf32>, vector<16xf32>, vector<16xf32>, vector<16xf32>, vector<16xf32>, vector<16xf32>)  : i32 {
        %add3A_175 = arith.addi %mul3A_24, %scan3A_158 : i32
        %rem3A = arith.constant 8 : i32
        %rem3A_176 = arith.remsi %add3A_175, %rem3A : i32
        %jit3A = arith.constant 50 : i32
        %div3A = arith.divsi %add3A_175, %jit3A : i32
        %sign3A = arith.constant 0 : i32
        %sign3A_177 = arith.cmpi sgt, %add3A_175, %sign3A : i32
        %sign3A_178 = arith.extui %sign3A_177 : i1 to i32
        %sign3A_179 = arith.constant 0 : i32
        %sign3A_180 = arith.cmpi slt, %add3A_175, %sign3A_179 : i32
        %sign3A_181 = arith.extui %sign3A_180 : i1 to i32
        %sign3A_182 = arith.subi %sign3A_178, %sign3A_181 : i32
        %sign3A_183 = arith.constant 0 : i32
        %sign3A_184 = arith.cmpi sgt, %jit3A, %sign3A_183 : i32
        %sign3A_185 = arith.extui %sign3A_184 : i1 to i32
        %sign3A_186 = arith.constant 0 : i32
        %sign3A_187 = arith.cmpi slt, %jit3A, %sign3A_186 : i32
        %sign3A_188 = arith.extui %sign3A_187 : i1 to i32
        %sign3A_189 = arith.subi %sign3A_185, %sign3A_188 : i32
        %ne3A = arith.cmpi ne, %sign3A_182, %sign3A_189 : i32
        %rem3A_190 = arith.remsi %add3A_175, %jit3A : i32
        %ne3A_191 = arith.constant 0 : i32
        %ne3A_192 = arith.cmpi ne, %rem3A_190, %ne3A_191 : i32
        %and3A = arith.andi %ne3A, %ne3A_192 : i1
        %sub3A = arith.constant 1 : i32
        %sub3A_193 = arith.subi %div3A, %sub3A : i32
        %select_n3A = arith.select %and3A, %sub3A_193, %div3A : i32
        %mul3A_194 = arith.constant 50 : i32
        %mul3A_195 = arith.muli %select_n3A, %mul3A_194 : i32
        %sub3A_196 = arith.subi %add3A_175, %mul3A_195 : i32
        %mul3A_197 = arith.constant 128 : i32
        %mul3A_198 = arith.muli %select_n3A, %mul3A_197 : i32
        %dma_wait3A = arith.constant 0 : i32
        %dma_wait3A_199 = tpu.memref_slice %arg8[%rem3A_176, %dma_wait3A] : memref<8x128xf32, #tpu.memory_space<vmem>> -> memref<1x128xf32, #tpu.memory_space<vmem>>
        %dma_wait3A_200 = tpu.memref_squeeze %dma_wait3A_199 : memref<1x128xf32, #tpu.memory_space<vmem>> -> memref<128xf32, #tpu.memory_space<vmem>>
        %dma_wait3A_201 = tpu.memref_slice %arg7[%sub3A_196, %mul3A_198] : memref<50x512xi32, #tpu.memory_space<vmem>> -> memref<1x128xi32, #tpu.memory_space<vmem>>
        %dma_wait3A_202 = tpu.memref_squeeze %dma_wait3A_201 : memref<1x128xi32, #tpu.memory_space<vmem>> -> memref<128xi32, #tpu.memory_space<vmem>>
        %dma_wait3A_203 = arith.constant 0 : i32
        %dma_wait3A_204 = tpu.memref_slice %arg3[%dma_wait3A_203] : memref<1000000xf32, #tpu.memory_space<hbm>> -> memref<1000000xf32, #tpu.memory_space<hbm>>
        %dma_wait3A_205 = tpu.memref_slice %arg13[%rem3A_176] : memref<8x!tpu.dma_semaphore, #tpu.memory_space<semaphore_mem>> -> memref<1x!tpu.dma_semaphore, #tpu.memory_space<semaphore_mem>>
        %dma_wait3A_206 = tpu.memref_squeeze %dma_wait3A_205 : memref<1x!tpu.dma_semaphore, #tpu.memory_space<semaphore_mem>> -> memref<!tpu.dma_semaphore, #tpu.memory_space<semaphore_mem>>
        tpu.wait_indirect_dma semaphore(%dma_wait3A_206 : memref<!tpu.dma_semaphore, #tpu.memory_space<semaphore_mem>>) src(%dma_wait3A_204 : memref<1000000xf32, #tpu.memory_space<hbm>>) dst(%dma_wait3A_200 : memref<128xf32, #tpu.memory_space<vmem>>)
        %get3A = arith.index_cast %rem3A_176 : i32 to index
        %get3A_207 = arith.constant 0 : index
        %get3A_208 = tpu.vector_load %arg8[%get3A, %get3A_207] {strides = array<i32>} : memref<8x128xf32, #tpu.memory_space<vmem>>, vector<1x16xf32>,
        %get3A_209 = vector.shape_cast %get3A_208 : vector<1x16xf32> to vector<16xf32>
        %add3A_210 = arith.addf %scan3A_159, %get3A_209 : vector<16xf32>
        %get3A_211 = arith.index_cast %rem3A_176 : i32 to index
        %get3A_212 = arith.constant 16 : index
        %get3A_213 = tpu.vector_load %arg8[%get3A_211, %get3A_212] {strides = array<i32>} : memref<8x128xf32, #tpu.memory_space<vmem>>, vector<1x16xf32>,
        %get3A_214 = vector.shape_cast %get3A_213 : vector<1x16xf32> to vector<16xf32>
        %add3A_215 = arith.addf %scan3A_160, %get3A_214 : vector<16xf32>
        %get3A_216 = arith.index_cast %rem3A_176 : i32 to index
        %get3A_217 = arith.constant 32 : index
        %get3A_218 = tpu.vector_load %arg8[%get3A_216, %get3A_217] {strides = array<i32>} : memref<8x128xf32, #tpu.memory_space<vmem>>, vector<1x16xf32>,
        %get3A_219 = vector.shape_cast %get3A_218 : vector<1x16xf32> to vector<16xf32>
        %add3A_220 = arith.addf %scan3A_161, %get3A_219 : vector<16xf32>
        %get3A_221 = arith.index_cast %rem3A_176 : i32 to index
        %get3A_222 = arith.constant 48 : index
        %get3A_223 = tpu.vector_load %arg8[%get3A_221, %get3A_222] {strides = array<i32>} : memref<8x128xf32, #tpu.memory_space<vmem>>, vector<1x16xf32>,
        %get3A_224 = vector.shape_cast %get3A_223 : vector<1x16xf32> to vector<16xf32>
        %add3A_225 = arith.addf %scan3A_162, %get3A_224 : vector<16xf32>
        %get3A_226 = arith.index_cast %rem3A_176 : i32 to index
        %get3A_227 = arith.constant 64 : index
        %get3A_228 = tpu.vector_load %arg8[%get3A_226, %get3A_227] {strides = array<i32>} : memref<8x128xf32, #tpu.memory_space<vmem>>, vector<1x16xf32>,
        %get3A_229 = vector.shape_cast %get3A_228 : vector<1x16xf32> to vector<16xf32>
        %add3A_230 = arith.addf %scan3A_163, %get3A_229 : vector<16xf32>
        %get3A_231 = arith.index_cast %rem3A_176 : i32 to index
        %get3A_232 = arith.constant 80 : index
        %get3A_233 = tpu.vector_load %arg8[%get3A_231, %get3A_232] {strides = array<i32>} : memref<8x128xf32, #tpu.memory_space<vmem>>, vector<1x16xf32>,
        %get3A_234 = vector.shape_cast %get3A_233 : vector<1x16xf32> to vector<16xf32>
        %add3A_235 = arith.addf %scan3A_164, %get3A_234 : vector<16xf32>
        %get3A_236 = arith.index_cast %rem3A_176 : i32 to index
        %get3A_237 = arith.constant 96 : index
        %get3A_238 = tpu.vector_load %arg8[%get3A_236, %get3A_237] {strides = array<i32>} : memref<8x128xf32, #tpu.memory_space<vmem>>, vector<1x16xf32>,
        %get3A_239 = vector.shape_cast %get3A_238 : vector<1x16xf32> to vector<16xf32>
        %add3A_240 = arith.addf %scan3A_165, %get3A_239 : vector<16xf32>
        %get3A_241 = arith.index_cast %rem3A_176 : i32 to index
        %get3A_242 = arith.constant 112 : index
        %get3A_243 = tpu.vector_load %arg8[%get3A_241, %get3A_242] {strides = array<i32>} : memref<8x128xf32, #tpu.memory_space<vmem>>, vector<1x16xf32>,
        %get3A_244 = vector.shape_cast %get3A_243 : vector<1x16xf32> to vector<16xf32>
        %add3A_245 = arith.addf %scan3A_166, %get3A_244 : vector<16xf32>
        %dma_wait3A_246 = arith.constant 0 : i32
        %dma_wait3A_247 = tpu.memref_slice %arg9[%rem3A_176, %dma_wait3A_246] : memref<8x128xf32, #tpu.memory_space<vmem>> -> memref<1x128xf32, #tpu.memory_space<vmem>>
        %dma_wait3A_248 = tpu.memref_squeeze %dma_wait3A_247 : memref<1x128xf32, #tpu.memory_space<vmem>> -> memref<128xf32, #tpu.memory_space<vmem>>
        %dma_wait3A_249 = tpu.memref_slice %arg7[%sub3A_196, %mul3A_198] : memref<50x512xi32, #tpu.memory_space<vmem>> -> memref<1x128xi32, #tpu.memory_space<vmem>>
        %dma_wait3A_250 = tpu.memref_squeeze %dma_wait3A_249 : memref<1x128xi32, #tpu.memory_space<vmem>> -> memref<128xi32, #tpu.memory_space<vmem>>
        %dma_wait3A_251 = arith.constant 0 : i32
        %dma_wait3A_252 = tpu.memref_slice %arg4[%dma_wait3A_251] : memref<1000000xf32, #tpu.memory_space<hbm>> -> memref<1000000xf32, #tpu.memory_space<hbm>>
        %dma_wait3A_253 = tpu.memref_slice %arg14[%rem3A_176] : memref<8x!tpu.dma_semaphore, #tpu.memory_space<semaphore_mem>> -> memref<1x!tpu.dma_semaphore, #tpu.memory_space<semaphore_mem>>
        %dma_wait3A_254 = tpu.memref_squeeze %dma_wait3A_253 : memref<1x!tpu.dma_semaphore, #tpu.memory_space<semaphore_mem>> -> memref<!tpu.dma_semaphore, #tpu.memory_space<semaphore_mem>>
        tpu.wait_indirect_dma semaphore(%dma_wait3A_254 : memref<!tpu.dma_semaphore, #tpu.memory_space<semaphore_mem>>) src(%dma_wait3A_252 : memref<1000000xf32, #tpu.memory_space<hbm>>) dst(%dma_wait3A_248 : memref<128xf32, #tpu.memory_space<vmem>>)
        %get3A_255 = arith.index_cast %rem3A_176 : i32 to index
        %get3A_256 = arith.constant 0 : index
        %get3A_257 = tpu.vector_load %arg9[%get3A_255, %get3A_256] {strides = array<i32>} : memref<8x128xf32, #tpu.memory_space<vmem>>, vector<1x16xf32>,
        %get3A_258 = vector.shape_cast %get3A_257 : vector<1x16xf32> to vector<16xf32>
        %add3A_259 = arith.addf %scan3A_167, %get3A_258 : vector<16xf32>
        %get3A_260 = arith.index_cast %rem3A_176 : i32 to index
        %get3A_261 = arith.constant 16 : index
        %get3A_262 = tpu.vector_load %arg9[%get3A_260, %get3A_261] {strides = array<i32>} : memref<8x128xf32, #tpu.memory_space<vmem>>, vector<1x16xf32>,
        %get3A_263 = vector.shape_cast %get3A_262 : vector<1x16xf32> to vector<16xf32>
        %add3A_264 = arith.addf %scan3A_168, %get3A_263 : vector<16xf32>
        %get3A_265 = arith.index_cast %rem3A_176 : i32 to index
        %get3A_266 = arith.constant 32 : index
        %get3A_267 = tpu.vector_load %arg9[%get3A_265, %get3A_266] {strides = array<i32>} : memref<8x128xf32, #tpu.memory_space<vmem>>, vector<1x16xf32>,
        %get3A_268 = vector.shape_cast %get3A_267 : vector<1x16xf32> to vector<16xf32>
        %add3A_269 = arith.addf %scan3A_169, %get3A_268 : vector<16xf32>
        %get3A_270 = arith.index_cast %rem3A_176 : i32 to index
        %get3A_271 = arith.constant 48 : index
        %get3A_272 = tpu.vector_load %arg9[%get3A_270, %get3A_271] {strides = array<i32>} : memref<8x128xf32, #tpu.memory_space<vmem>>, vector<1x16xf32>,
        %get3A_273 = vector.shape_cast %get3A_272 : vector<1x16xf32> to vector<16xf32>
        %add3A_274 = arith.addf %scan3A_170, %get3A_273 : vector<16xf32>
        %get3A_275 = arith.index_cast %rem3A_176 : i32 to index
        %get3A_276 = arith.constant 64 : index
        %get3A_277 = tpu.vector_load %arg9[%get3A_275, %get3A_276] {strides = array<i32>} : memref<8x128xf32, #tpu.memory_space<vmem>>, vector<1x16xf32>,
        %get3A_278 = vector.shape_cast %get3A_277 : vector<1x16xf32> to vector<16xf32>
        %add3A_279 = arith.addf %scan3A_171, %get3A_278 : vector<16xf32>
        %get3A_280 = arith.index_cast %rem3A_176 : i32 to index
        %get3A_281 = arith.constant 80 : index
        %get3A_282 = tpu.vector_load %arg9[%get3A_280, %get3A_281] {strides = array<i32>} : memref<8x128xf32, #tpu.memory_space<vmem>>, vector<1x16xf32>,
        %get3A_283 = vector.shape_cast %get3A_282 : vector<1x16xf32> to vector<16xf32>
        %add3A_284 = arith.addf %scan3A_172, %get3A_283 : vector<16xf32>
        %get3A_285 = arith.index_cast %rem3A_176 : i32 to index
        %get3A_286 = arith.constant 96 : index
        %get3A_287 = tpu.vector_load %arg9[%get3A_285, %get3A_286] {strides = array<i32>} : memref<8x128xf32, #tpu.memory_space<vmem>>, vector<1x16xf32>,
        %get3A_288 = vector.shape_cast %get3A_287 : vector<1x16xf32> to vector<16xf32>
        %add3A_289 = arith.addf %scan3A_173, %get3A_288 : vector<16xf32>
        %get3A_290 = arith.index_cast %rem3A_176 : i32 to index
        %get3A_291 = arith.constant 112 : index
        %get3A_292 = tpu.vector_load %arg9[%get3A_290, %get3A_291] {strides = array<i32>} : memref<8x128xf32, #tpu.memory_space<vmem>>, vector<1x16xf32>,
        %get3A_293 = vector.shape_cast %get3A_292 : vector<1x16xf32> to vector<16xf32>
        %add3A_294 = arith.addf %scan3A_174, %get3A_293 : vector<16xf32>
        %add3A_295 = arith.constant 8 : i32
        %add3A_296 = arith.addi %add3A_175, %add3A_295 : i32
        %lt3A = arith.constant 200 : i32
        %lt3A_297 = arith.cmpi slt, %add3A_296, %lt3A : i32
        %convert_element_type3A = arith.extui %lt3A_297 : i1 to i32
        %cond3A = arith.constant 0 : i32
        %cond3A_298 = arith.cmpi ne, %convert_element_type3A, %cond3A : i32
        scf.if %cond3A_298 {
          %add3A_299 = arith.constant 8 : i32
          %add3A_300 = arith.addi %add3A_175, %add3A_299 : i32
          %rem3A_301 = arith.constant 8 : i32
          %rem3A_302 = arith.remsi %add3A_300, %rem3A_301 : i32
          %jit3A_303 = arith.constant 50 : i32
          %div3A_304 = arith.divsi %add3A_300, %jit3A_303 : i32
          %sign3A_305 = arith.constant 0 : i32
          %sign3A_306 = arith.cmpi sgt, %add3A_300, %sign3A_305 : i32
          %sign3A_307 = arith.extui %sign3A_306 : i1 to i32
          %sign3A_308 = arith.constant 0 : i32
          %sign3A_309 = arith.cmpi slt, %add3A_300, %sign3A_308 : i32
          %sign3A_310 = arith.extui %sign3A_309 : i1 to i32
          %sign3A_311 = arith.subi %sign3A_307, %sign3A_310 : i32
          %sign3A_312 = arith.constant 0 : i32
          %sign3A_313 = arith.cmpi sgt, %jit3A_303, %sign3A_312 : i32
          %sign3A_314 = arith.extui %sign3A_313 : i1 to i32
          %sign3A_315 = arith.constant 0 : i32
          %sign3A_316 = arith.cmpi slt, %jit3A_303, %sign3A_315 : i32
          %sign3A_317 = arith.extui %sign3A_316 : i1 to i32
          %sign3A_318 = arith.subi %sign3A_314, %sign3A_317 : i32
          %ne3A_319 = arith.cmpi ne, %sign3A_311, %sign3A_318 : i32
          %rem3A_320 = arith.remsi %add3A_300, %jit3A_303 : i32
          %ne3A_321 = arith.constant 0 : i32
          %ne3A_322 = arith.cmpi ne, %rem3A_320, %ne3A_321 : i32
          %and3A_323 = arith.andi %ne3A_319, %ne3A_322 : i1
          %sub3A_324 = arith.constant 1 : i32
          %sub3A_325 = arith.subi %div3A_304, %sub3A_324 : i32
          %select_n3A_326 = arith.select %and3A_323, %sub3A_325, %div3A_304 : i32
          %mul3A_327 = arith.constant 50 : i32
          %mul3A_328 = arith.muli %select_n3A_326, %mul3A_327 : i32
          %sub3A_329 = arith.subi %add3A_300, %mul3A_328 : i32
          %mul3A_330 = arith.constant 128 : i32
          %mul3A_331 = arith.muli %select_n3A_326, %mul3A_330 : i32
          %dma_start3A = arith.constant 0 : i32
          %dma_start3A_332 = tpu.memref_slice %arg8[%rem3A_302, %dma_start3A] : memref<8x128xf32, #tpu.memory_space<vmem>> -> memref<1x128xf32, #tpu.memory_space<vmem>>
          %dma_start3A_333 = tpu.memref_squeeze %dma_start3A_332 : memref<1x128xf32, #tpu.memory_space<vmem>> -> memref<128xf32, #tpu.memory_space<vmem>>
          %dma_start3A_334 = tpu.memref_slice %arg7[%sub3A_329, %mul3A_331] : memref<50x512xi32, #tpu.memory_space<vmem>> -> memref<1x128xi32, #tpu.memory_space<vmem>>
          %dma_start3A_335 = tpu.memref_squeeze %dma_start3A_334 : memref<1x128xi32, #tpu.memory_space<vmem>> -> memref<128xi32, #tpu.memory_space<vmem>>
          %dma_start3A_336 = arith.constant 0 : i32
          %dma_start3A_337 = tpu.memref_slice %arg3[%dma_start3A_336] : memref<1000000xf32, #tpu.memory_space<hbm>> -> memref<1000000xf32, #tpu.memory_space<hbm>>
          %dma_start3A_338 = tpu.memref_slice %arg13[%rem3A_302] : memref<8x!tpu.dma_semaphore, #tpu.memory_space<semaphore_mem>> -> memref<1x!tpu.dma_semaphore, #tpu.memory_space<semaphore_mem>>
          %dma_start3A_339 = tpu.memref_squeeze %dma_start3A_338 : memref<1x!tpu.dma_semaphore, #tpu.memory_space<semaphore_mem>> -> memref<!tpu.dma_semaphore, #tpu.memory_space<semaphore_mem>>
          tpu.enqueue_indirect_dma source(%dma_start3A_337 : memref<1000000xf32, #tpu.memory_space<hbm>>) target(%dma_start3A_333 : memref<128xf32, #tpu.memory_space<vmem>>) offsets(%dma_start3A_335 : memref<128xi32, #tpu.memory_space<vmem>>) semaphore(%dma_start3A_339 : memref<!tpu.dma_semaphore, #tpu.memory_space<semaphore_mem>>)
          %dma_start3A_340 = arith.constant 0 : i32
          %dma_start3A_341 = tpu.memref_slice %arg9[%rem3A_302, %dma_start3A_340] : memref<8x128xf32, #tpu.memory_space<vmem>> -> memref<1x128xf32, #tpu.memory_space<vmem>>
          %dma_start3A_342 = tpu.memref_squeeze %dma_start3A_341 : memref<1x128xf32, #tpu.memory_space<vmem>> -> memref<128xf32, #tpu.memory_space<vmem>>
          %dma_start3A_343 = tpu.memref_slice %arg7[%sub3A_329, %mul3A_331] : memref<50x512xi32, #tpu.memory_space<vmem>> -> memref<1x128xi32, #tpu.memory_space<vmem>>
          %dma_start3A_344 = tpu.memref_squeeze %dma_start3A_343 : memref<1x128xi32, #tpu.memory_space<vmem>> -> memref<128xi32, #tpu.memory_space<vmem>>
          %dma_start3A_345 = arith.constant 0 : i32
          %dma_start3A_346 = tpu.memref_slice %arg4[%dma_start3A_345] : memref<1000000xf32, #tpu.memory_space<hbm>> -> memref<1000000xf32, #tpu.memory_space<hbm>>
          %dma_start3A_347 = tpu.memref_slice %arg14[%rem3A_302] : memref<8x!tpu.dma_semaphore, #tpu.memory_space<semaphore_mem>> -> memref<1x!tpu.dma_semaphore, #tpu.memory_space<semaphore_mem>>
          %dma_start3A_348 = tpu.memref_squeeze %dma_start3A_347 : memref<1x!tpu.dma_semaphore, #tpu.memory_space<semaphore_mem>> -> memref<!tpu.dma_semaphore, #tpu.memory_space<semaphore_mem>>
          tpu.enqueue_indirect_dma source(%dma_start3A_346 : memref<1000000xf32, #tpu.memory_space<hbm>>) target(%dma_start3A_342 : memref<128xf32, #tpu.memory_space<vmem>>) offsets(%dma_start3A_344 : memref<128xi32, #tpu.memory_space<vmem>>) semaphore(%dma_start3A_348 : memref<!tpu.dma_semaphore, #tpu.memory_space<semaphore_mem>>)
        } else {
        }
        scf.yield %add3A_210, %add3A_215, %add3A_220, %add3A_225, %add3A_230, %add3A_235, %add3A_240, %add3A_245, %add3A_259, %add3A_264, %add3A_269, %add3A_274, %add3A_279, %add3A_284, %add3A_289, %add3A_294 : vector<16xf32>, vector<16xf32>, vector<16xf32>, vector<16xf32>, vector<16xf32>, vector<16xf32>, vector<16xf32>, vector<16xf32>, vector<16xf32>, vector<16xf32>, vector<16xf32>, vector<16xf32>, vector<16xf32>, vector<16xf32>, vector<16xf32>, vector<16xf32>
      }
      %scan3A_30 = arith.constant 50 : i32
      %mul3A_31 = arith.constant 128 : i32
      %mul3A_32 = arith.muli %scan3A_22, %mul3A_31 : i32
      %add3A_33 = arith.constant 0 : i32
      %add3A_34 = arith.addi %mul3A_32, %add3A_33 : i32
      %swap3A = arith.index_cast %add3A_34 : i32 to index
      %swap3A_35 = tpu.vector_load %arg10[%swap3A] {strides = array<i32>} : memref<512xf32, #tpu.memory_space<vmem>>, vector<16xf32>,
      %swap3A_36 = vector.shape_cast %swap3A_35 : vector<16xf32> to vector<16xf32>
      %swap3A_37 = vector.shape_cast %scan3A_29#0 : vector<16xf32> to vector<16xf32>
      tpu.vector_store %arg10[%swap3A], %swap3A_37 {strides = array<i32>} : memref<512xf32, #tpu.memory_space<vmem>>, vector<16xf32>,
      %mul3A_38 = arith.constant 128 : i32
      %mul3A_39 = arith.muli %scan3A_22, %mul3A_38 : i32
      %add3A_40 = arith.constant 0 : i32
      %add3A_41 = arith.addi %mul3A_39, %add3A_40 : i32
      %swap3A_42 = arith.index_cast %add3A_41 : i32 to index
      %swap3A_43 = tpu.vector_load %arg11[%swap3A_42] {strides = array<i32>} : memref<512xf32, #tpu.memory_space<vmem>>, vector<16xf32>,
      %swap3A_44 = vector.shape_cast %swap3A_43 : vector<16xf32> to vector<16xf32>
      %swap3A_45 = vector.shape_cast %scan3A_29#8 : vector<16xf32> to vector<16xf32>
      tpu.vector_store %arg11[%swap3A_42], %swap3A_45 {strides = array<i32>} : memref<512xf32, #tpu.memory_space<vmem>>, vector<16xf32>,
      %mul3A_46 = arith.constant 128 : i32
      %mul3A_47 = arith.muli %scan3A_22, %mul3A_46 : i32
      %add3A_48 = arith.constant 16 : i32
      %add3A_49 = arith.addi %mul3A_47, %add3A_48 : i32
      %swap3A_50 = arith.index_cast %add3A_49 : i32 to index
      %swap3A_51 = tpu.vector_load %arg10[%swap3A_50] {strides = array<i32>} : memref<512xf32, #tpu.memory_space<vmem>>, vector<16xf32>,
      %swap3A_52 = vector.shape_cast %swap3A_51 : vector<16xf32> to vector<16xf32>
      %swap3A_53 = vector.shape_cast %scan3A_29#1 : vector<16xf32> to vector<16xf32>
      tpu.vector_store %arg10[%swap3A_50], %swap3A_53 {strides = array<i32>} : memref<512xf32, #tpu.memory_space<vmem>>, vector<16xf32>,
      %mul3A_54 = arith.constant 128 : i32
      %mul3A_55 = arith.muli %scan3A_22, %mul3A_54 : i32
      %add3A_56 = arith.constant 16 : i32
      %add3A_57 = arith.addi %mul3A_55, %add3A_56 : i32
      %swap3A_58 = arith.index_cast %add3A_57 : i32 to index
      %swap3A_59 = tpu.vector_load %arg11[%swap3A_58] {strides = array<i32>} : memref<512xf32, #tpu.memory_space<vmem>>, vector<16xf32>,
      %swap3A_60 = vector.shape_cast %swap3A_59 : vector<16xf32> to vector<16xf32>
      %swap3A_61 = vector.shape_cast %scan3A_29#9 : vector<16xf32> to vector<16xf32>
      tpu.vector_store %arg11[%swap3A_58], %swap3A_61 {strides = array<i32>} : memref<512xf32, #tpu.memory_space<vmem>>, vector<16xf32>,
      %mul3A_62 = arith.constant 128 : i32
      %mul3A_63 = arith.muli %scan3A_22, %mul3A_62 : i32
      %add3A_64 = arith.constant 32 : i32
      %add3A_65 = arith.addi %mul3A_63, %add3A_64 : i32
      %swap3A_66 = arith.index_cast %add3A_65 : i32 to index
      %swap3A_67 = tpu.vector_load %arg10[%swap3A_66] {strides = array<i32>} : memref<512xf32, #tpu.memory_space<vmem>>, vector<16xf32>,
      %swap3A_68 = vector.shape_cast %swap3A_67 : vector<16xf32> to vector<16xf32>
      %swap3A_69 = vector.shape_cast %scan3A_29#2 : vector<16xf32> to vector<16xf32>
      tpu.vector_store %arg10[%swap3A_66], %swap3A_69 {strides = array<i32>} : memref<512xf32, #tpu.memory_space<vmem>>, vector<16xf32>,
      %mul3A_70 = arith.constant 128 : i32
      %mul3A_71 = arith.muli %scan3A_22, %mul3A_70 : i32
      %add3A_72 = arith.constant 32 : i32
      %add3A_73 = arith.addi %mul3A_71, %add3A_72 : i32
      %swap3A_74 = arith.index_cast %add3A_73 : i32 to index
      %swap3A_75 = tpu.vector_load %arg11[%swap3A_74] {strides = array<i32>} : memref<512xf32, #tpu.memory_space<vmem>>, vector<16xf32>,
      %swap3A_76 = vector.shape_cast %swap3A_75 : vector<16xf32> to vector<16xf32>
      %swap3A_77 = vector.shape_cast %scan3A_29#10 : vector<16xf32> to vector<16xf32>
      tpu.vector_store %arg11[%swap3A_74], %swap3A_77 {strides = array<i32>} : memref<512xf32, #tpu.memory_space<vmem>>, vector<16xf32>,
      %mul3A_78 = arith.constant 128 : i32
      %mul3A_79 = arith.muli %scan3A_22, %mul3A_78 : i32
      %add3A_80 = arith.constant 48 : i32
      %add3A_81 = arith.addi %mul3A_79, %add3A_80 : i32
      %swap3A_82 = arith.index_cast %add3A_81 : i32 to index
      %swap3A_83 = tpu.vector_load %arg10[%swap3A_82] {strides = array<i32>} : memref<512xf32, #tpu.memory_space<vmem>>, vector<16xf32>,
      %swap3A_84 = vector.shape_cast %swap3A_83 : vector<16xf32> to vector<16xf32>
      %swap3A_85 = vector.shape_cast %scan3A_29#3 : vector<16xf32> to vector<16xf32>
      tpu.vector_store %arg10[%swap3A_82], %swap3A_85 {strides = array<i32>} : memref<512xf32, #tpu.memory_space<vmem>>, vector<16xf32>,
      %mul3A_86 = arith.constant 128 : i32
      %mul3A_87 = arith.muli %scan3A_22, %mul3A_86 : i32
      %add3A_88 = arith.constant 48 : i32
      %add3A_89 = arith.addi %mul3A_87, %add3A_88 : i32
      %swap3A_90 = arith.index_cast %add3A_89 : i32 to index
      %swap3A_91 = tpu.vector_load %arg11[%swap3A_90] {strides = array<i32>} : memref<512xf32, #tpu.memory_space<vmem>>, vector<16xf32>,
      %swap3A_92 = vector.shape_cast %swap3A_91 : vector<16xf32> to vector<16xf32>
      %swap3A_93 = vector.shape_cast %scan3A_29#11 : vector<16xf32> to vector<16xf32>
      tpu.vector_store %arg11[%swap3A_90], %swap3A_93 {strides = array<i32>} : memref<512xf32, #tpu.memory_space<vmem>>, vector<16xf32>,
      %mul3A_94 = arith.constant 128 : i32
      %mul3A_95 = arith.muli %scan3A_22, %mul3A_94 : i32
      %add3A_96 = arith.constant 64 : i32
      %add3A_97 = arith.addi %mul3A_95, %add3A_96 : i32
      %swap3A_98 = arith.index_cast %add3A_97 : i32 to index
      %swap3A_99 = tpu.vector_load %arg10[%swap3A_98] {strides = array<i32>} : memref<512xf32, #tpu.memory_space<vmem>>, vector<16xf32>,
      %swap3A_100 = vector.shape_cast %swap3A_99 : vector<16xf32> to vector<16xf32>
      %swap3A_101 = vector.shape_cast %scan3A_29#4 : vector<16xf32> to vector<16xf32>
      tpu.vector_store %arg10[%swap3A_98], %swap3A_101 {strides = array<i32>} : memref<512xf32, #tpu.memory_space<vmem>>, vector<16xf32>,
      %mul3A_102 = arith.constant 128 : i32
      %mul3A_103 = arith.muli %scan3A_22, %mul3A_102 : i32
      %add3A_104 = arith.constant 64 : i32
      %add3A_105 = arith.addi %mul3A_103, %add3A_104 : i32
      %swap3A_106 = arith.index_cast %add3A_105 : i32 to index
      %swap3A_107 = tpu.vector_load %arg11[%swap3A_106] {strides = array<i32>} : memref<512xf32, #tpu.memory_space<vmem>>, vector<16xf32>,
      %swap3A_108 = vector.shape_cast %swap3A_107 : vector<16xf32> to vector<16xf32>
      %swap3A_109 = vector.shape_cast %scan3A_29#12 : vector<16xf32> to vector<16xf32>
      tpu.vector_store %arg11[%swap3A_106], %swap3A_109 {strides = array<i32>} : memref<512xf32, #tpu.memory_space<vmem>>, vector<16xf32>,
      %mul3A_110 = arith.constant 128 : i32
      %mul3A_111 = arith.muli %scan3A_22, %mul3A_110 : i32
      %add3A_112 = arith.constant 80 : i32
      %add3A_113 = arith.addi %mul3A_111, %add3A_112 : i32
      %swap3A_114 = arith.index_cast %add3A_113 : i32 to index
      %swap3A_115 = tpu.vector_load %arg10[%swap3A_114] {strides = array<i32>} : memref<512xf32, #tpu.memory_space<vmem>>, vector<16xf32>,
      %swap3A_116 = vector.shape_cast %swap3A_115 : vector<16xf32> to vector<16xf32>
      %swap3A_117 = vector.shape_cast %scan3A_29#5 : vector<16xf32> to vector<16xf32>
      tpu.vector_store %arg10[%swap3A_114], %swap3A_117 {strides = array<i32>} : memref<512xf32, #tpu.memory_space<vmem>>, vector<16xf32>,
      %mul3A_118 = arith.constant 128 : i32
      %mul3A_119 = arith.muli %scan3A_22, %mul3A_118 : i32
      %add3A_120 = arith.constant 80 : i32
      %add3A_121 = arith.addi %mul3A_119, %add3A_120 : i32
      %swap3A_122 = arith.index_cast %add3A_121 : i32 to index
      %swap3A_123 = tpu.vector_load %arg11[%swap3A_122] {strides = array<i32>} : memref<512xf32, #tpu.memory_space<vmem>>, vector<16xf32>,
      %swap3A_124 = vector.shape_cast %swap3A_123 : vector<16xf32> to vector<16xf32>
      %swap3A_125 = vector.shape_cast %scan3A_29#13 : vector<16xf32> to vector<16xf32>
      tpu.vector_store %arg11[%swap3A_122], %swap3A_125 {strides = array<i32>} : memref<512xf32, #tpu.memory_space<vmem>>, vector<16xf32>,
      %mul3A_126 = arith.constant 128 : i32
      %mul3A_127 = arith.muli %scan3A_22, %mul3A_126 : i32
      %add3A_128 = arith.constant 96 : i32
      %add3A_129 = arith.addi %mul3A_127, %add3A_128 : i32
      %swap3A_130 = arith.index_cast %add3A_129 : i32 to index
      %swap3A_131 = tpu.vector_load %arg10[%swap3A_130] {strides = array<i32>} : memref<512xf32, #tpu.memory_space<vmem>>, vector<16xf32>,
      %swap3A_132 = vector.shape_cast %swap3A_131 : vector<16xf32> to vector<16xf32>
      %swap3A_133 = vector.shape_cast %scan3A_29#6 : vector<16xf32> to vector<16xf32>
      tpu.vector_store %arg10[%swap3A_130], %swap3A_133 {strides = array<i32>} : memref<512xf32, #tpu.memory_space<vmem>>, vector<16xf32>,
      %mul3A_134 = arith.constant 128 : i32
      %mul3A_135 = arith.muli %scan3A_22, %mul3A_134 : i32
      %add3A_136 = arith.constant 96 : i32
      %add3A_137 = arith.addi %mul3A_135, %add3A_136 : i32
      %swap3A_138 = arith.index_cast %add3A_137 : i32 to index
      %swap3A_139 = tpu.vector_load %arg11[%swap3A_138] {strides = array<i32>} : memref<512xf32, #tpu.memory_space<vmem>>, vector<16xf32>,
      %swap3A_140 = vector.shape_cast %swap3A_139 : vector<16xf32> to vector<16xf32>
      %swap3A_141 = vector.shape_cast %scan3A_29#14 : vector<16xf32> to vector<16xf32>
      tpu.vector_store %arg11[%swap3A_138], %swap3A_141 {strides = array<i32>} : memref<512xf32, #tpu.memory_space<vmem>>, vector<16xf32>,
      %mul3A_142 = arith.constant 128 : i32
      %mul3A_143 = arith.muli %scan3A_22, %mul3A_142 : i32
      %add3A_144 = arith.constant 112 : i32
      %add3A_145 = arith.addi %mul3A_143, %add3A_144 : i32
      %swap3A_146 = arith.index_cast %add3A_145 : i32 to index
      %swap3A_147 = tpu.vector_load %arg10[%swap3A_146] {strides = array<i32>} : memref<512xf32, #tpu.memory_space<vmem>>, vector<16xf32>,
      %swap3A_148 = vector.shape_cast %swap3A_147 : vector<16xf32> to vector<16xf32>
      %swap3A_149 = vector.shape_cast %scan3A_29#7 : vector<16xf32> to vector<16xf32>
      tpu.vector_store %arg10[%swap3A_146], %swap3A_149 {strides = array<i32>} : memref<512xf32, #tpu.memory_space<vmem>>, vector<16xf32>,
      %mul3A_150 = arith.constant 128 : i32
      %mul3A_151 = arith.muli %scan3A_22, %mul3A_150 : i32
      %add3A_152 = arith.constant 112 : i32
      %add3A_153 = arith.addi %mul3A_151, %add3A_152 : i32
      %swap3A_154 = arith.index_cast %add3A_153 : i32 to index
      %swap3A_155 = tpu.vector_load %arg11[%swap3A_154] {strides = array<i32>} : memref<512xf32, #tpu.memory_space<vmem>>, vector<16xf32>,
      %swap3A_156 = vector.shape_cast %swap3A_155 : vector<16xf32> to vector<16xf32>
      %swap3A_157 = vector.shape_cast %scan3A_29#15 : vector<16xf32> to vector<16xf32>
      tpu.vector_store %arg11[%swap3A_154], %swap3A_157 {strides = array<i32>} : memref<512xf32, #tpu.memory_space<vmem>>, vector<16xf32>,
    }
    %scan3A_14 = arith.constant 4 : i32
    %scan3A_15 = arith.constant 0 : i32
    %scan3A_16 = arith.constant 0 : i32
    %scan3A_17 = arith.constant 32 : i32
    %scan3A_18 = arith.addi %scan3A_16, %scan3A_17 : i32
    %scan3A_19 = arith.constant 1 : i32
    scf.for %scan3A_22 = %scan3A_16 to %scan3A_18 step %scan3A_19  : i32 {
      %mul3A_23 = arith.constant 16 : i32
      %mul3A_24 = arith.muli %scan3A_22, %mul3A_23 : i32
      %get3A = arith.index_cast %mul3A_24 : i32 to index
      %get3A_25 = tpu.vector_load %arg10[%get3A] {strides = array<i32>} : memref<512xf32, #tpu.memory_space<vmem>>, vector<16xf32>,
      %get3A_26 = vector.shape_cast %get3A_25 : vector<16xf32> to vector<16xf32>
      %get3A_27 = arith.constant 0 : i32
      %get3A_28 = arith.index_cast %get3A_27 : i32 to index
      %get3A_29 = arith.constant 0 : index
      %get3A_30 = tpu.vector_load %arg12[%get3A_28, %get3A_29] {strides = array<i32>} : memref<2x16xf32, #tpu.memory_space<vmem>>, vector<1x16xf32>,
      %get3A_31 = vector.shape_cast %get3A_30 : vector<1x16xf32> to vector<16xf32>
      %add3A_32 = arith.addf %get3A_26, %get3A_31 : vector<16xf32>
      %get3A_33 = arith.index_cast %mul3A_24 : i32 to index
      %get3A_34 = tpu.vector_load %arg11[%get3A_33] {strides = array<i32>} : memref<512xf32, #tpu.memory_space<vmem>>, vector<16xf32>,
      %get3A_35 = vector.shape_cast %get3A_34 : vector<16xf32> to vector<16xf32>
      %get3A_36 = arith.constant 1 : i32
      %get3A_37 = arith.index_cast %get3A_36 : i32 to index
      %get3A_38 = arith.constant 0 : index
      %get3A_39 = tpu.vector_load %arg12[%get3A_37, %get3A_38] {strides = array<i32>} : memref<2x16xf32, #tpu.memory_space<vmem>>, vector<1x16xf32>,
      %get3A_40 = vector.shape_cast %get3A_39 : vector<1x16xf32> to vector<16xf32>
      %add3A_41 = arith.addf %get3A_35, %get3A_40 : vector<16xf32>
      %neg3A = arith.constant 0.000000e+00 : f32
      %neg3A_42 = vector.broadcast %neg3A : f32 to vector<16xf32>
      %neg3A_43 = arith.subf %neg3A_42, %add3A_32 : vector<16xf32>
      %exp3A = math.exp %neg3A_43 : vector<16xf32>
      %add3A_44 = arith.constant 1.000000e+00 : f32
      %add3A_45 = vector.broadcast %add3A_44 : f32 to vector<16xf32>
      %add3A_46 = arith.addf %add3A_45, %exp3A : vector<16xf32>
      %div3A = arith.constant 1.000000e+00 : f32
      %div3A_47 = vector.broadcast %div3A : f32 to vector<16xf32>
      %div3A_48 = arith.divf %div3A_47, %add3A_46 : vector<16xf32>
      %neg3A_49 = arith.constant 0.000000e+00 : f32
      %neg3A_50 = vector.broadcast %neg3A_49 : f32 to vector<16xf32>
      %neg3A_51 = arith.subf %neg3A_50, %add3A_41 : vector<16xf32>
      %exp3A_52 = math.exp %neg3A_51 : vector<16xf32>
      %add3A_53 = arith.constant 1.000000e+00 : f32
      %add3A_54 = vector.broadcast %add3A_53 : f32 to vector<16xf32>
      %add3A_55 = arith.addf %add3A_54, %exp3A_52 : vector<16xf32>
      %div3A_56 = arith.constant 1.000000e+00 : f32
      %div3A_57 = vector.broadcast %div3A_56 : f32 to vector<16xf32>
      %div3A_58 = arith.divf %div3A_57, %add3A_55 : vector<16xf32>
      %max3A = arith.maximumf %div3A_48, %div3A_58 : vector<16xf32>
      %min3A = arith.minimumf %div3A_48, %div3A_58 : vector<16xf32>
      %sub3A = arith.subf %min3A, %max3A : vector<16xf32>
      %exp3A_59 = math.exp %sub3A : vector<16xf32>
      %add3A_60 = arith.constant 1.000000e+00 : f32
      %add3A_61 = vector.broadcast %add3A_60 : f32 to vector<16xf32>
      %add3A_62 = arith.addf %add3A_61, %exp3A_59 : vector<16xf32>
      %sub3A_63 = arith.constant 1.000000e+00 : f32
      %sub3A_64 = vector.broadcast %sub3A_63 : f32 to vector<16xf32>
      %sub3A_65 = arith.subf %add3A_62, %sub3A_64 : vector<16xf32>
      %add3A_66 = arith.constant 1.000000e+00 : f32
      %add3A_67 = vector.broadcast %add3A_66 : f32 to vector<16xf32>
      %add3A_68 = arith.addf %add3A_62, %add3A_67 : vector<16xf32>
      %div3A_69 = arith.divf %sub3A_65, %add3A_68 : vector<16xf32>
      %mul3A_70 = arith.mulf %div3A_69, %div3A_69 : vector<16xf32>
      %mul3A_71 = arith.constant 2.000000e+00 : f32
      %mul3A_72 = vector.broadcast %mul3A_71 : f32 to vector<16xf32>
      %mul3A_73 = arith.mulf %mul3A_72, %div3A_69 : vector<16xf32>
      %mul3A_74 = arith.constant 0.111111112 : f32
      %mul3A_75 = vector.broadcast %mul3A_74 : f32 to vector<16xf32>
      %mul3A_76 = arith.mulf %mul3A_70, %mul3A_75 : vector<16xf32>
      %add3A_77 = arith.constant 0.142857149 : f32
      %add3A_78 = vector.broadcast %add3A_77 : f32 to vector<16xf32>
      %add3A_79 = arith.addf %add3A_78, %mul3A_76 : vector<16xf32>
      %mul3A_80 = arith.mulf %mul3A_70, %add3A_79 : vector<16xf32>
      %add3A_81 = arith.constant 2.000000e-01 : f32
      %add3A_82 = vector.broadcast %add3A_81 : f32 to vector<16xf32>
      %add3A_83 = arith.addf %add3A_82, %mul3A_80 : vector<16xf32>
      %mul3A_84 = arith.mulf %mul3A_70, %add3A_83 : vector<16xf32>
      %add3A_85 = arith.constant 0.333333343 : f32
      %add3A_86 = vector.broadcast %add3A_85 : f32 to vector<16xf32>
      %add3A_87 = arith.addf %add3A_86, %mul3A_84 : vector<16xf32>
      %mul3A_88 = arith.mulf %mul3A_70, %add3A_87 : vector<16xf32>
      %add3A_89 = arith.constant 1.000000e+00 : f32
      %add3A_90 = vector.broadcast %add3A_89 : f32 to vector<16xf32>
      %add3A_91 = arith.addf %add3A_90, %mul3A_88 : vector<16xf32>
      %mul3A_92 = arith.mulf %mul3A_73, %add3A_91 : vector<16xf32>
      %add3A_93 = arith.addf %max3A, %mul3A_92 : vector<16xf32>
      %sub3A_94 = arith.subf %div3A_48, %add3A_93 : vector<16xf32>
      %swap3A = arith.index_cast %mul3A_24 : i32 to index
      %swap3A_95 = tpu.vector_load %arg10[%swap3A] {strides = array<i32>} : memref<512xf32, #tpu.memory_space<vmem>>, vector<16xf32>,
      %swap3A_96 = vector.shape_cast %swap3A_95 : vector<16xf32> to vector<16xf32>
      %swap3A_97 = vector.shape_cast %sub3A_94 : vector<16xf32> to vector<16xf32>
      tpu.vector_store %arg10[%swap3A], %swap3A_97 {strides = array<i32>} : memref<512xf32, #tpu.memory_space<vmem>>, vector<16xf32>,
      %sub3A_98 = arith.subf %div3A_58, %add3A_93 : vector<16xf32>
      %swap3A_99 = arith.index_cast %mul3A_24 : i32 to index
      %swap3A_100 = tpu.vector_load %arg11[%swap3A_99] {strides = array<i32>} : memref<512xf32, #tpu.memory_space<vmem>>, vector<16xf32>,
      %swap3A_101 = vector.shape_cast %swap3A_100 : vector<16xf32> to vector<16xf32>
      %swap3A_102 = vector.shape_cast %sub3A_98 : vector<16xf32> to vector<16xf32>
      tpu.vector_store %arg11[%swap3A_99], %swap3A_102 {strides = array<i32>} : memref<512xf32, #tpu.memory_space<vmem>>, vector<16xf32>,
    }
    %scan3A_20 = arith.constant 32 : i32
    %run_scoped3A = arith.constant 0 : i32
    "tpu.region"() ({
      %run_scoped3A_22 = tpu.sem_alloc : memref<!tpu.dma_semaphore, #tpu.memory_space<semaphore_mem>>
      %dma_start3A = tpu.memref_slice %arg6[%run_scoped3A, %mul3A_2] : memref<2x16384xf32, #tpu.memory_space<hbm>> -> memref<1x512xf32, #tpu.memory_space<hbm>>
      %dma_start3A_23 = tpu.memref_squeeze %dma_start3A : memref<1x512xf32, #tpu.memory_space<hbm>> -> memref<512xf32, #tpu.memory_space<hbm>>
      %dma_start3A_24 = tpu.memref_slice %arg6[%run_scoped3A, %mul3A_2] : memref<2x16384xf32, #tpu.memory_space<hbm>> -> memref<1x512xf32, #tpu.memory_space<hbm>>
      %dma_start3A_25 = tpu.memref_squeeze %dma_start3A_24 : memref<1x512xf32, #tpu.memory_space<hbm>> -> memref<512xf32, #tpu.memory_space<hbm>>
      tpu.enqueue_dma source(%arg10 : memref<512xf32, #tpu.memory_space<vmem>>) target(%dma_start3A_25 : memref<512xf32, #tpu.memory_space<hbm>>) target_semaphore(%run_scoped3A_22 : memref<!tpu.dma_semaphore, #tpu.memory_space<semaphore_mem>>)
      %dma_wait3A = tpu.memref_slice %arg6[%run_scoped3A, %mul3A_2] : memref<2x16384xf32, #tpu.memory_space<hbm>> -> memref<1x512xf32, #tpu.memory_space<hbm>>
      %dma_wait3A_26 = tpu.memref_squeeze %dma_wait3A : memref<1x512xf32, #tpu.memory_space<hbm>> -> memref<512xf32, #tpu.memory_space<hbm>>
      %dma_wait3A_27 = tpu.memref_slice %arg6[%run_scoped3A, %mul3A_2] : memref<2x16384xf32, #tpu.memory_space<hbm>> -> memref<1x512xf32, #tpu.memory_space<hbm>>
      %dma_wait3A_28 = tpu.memref_squeeze %dma_wait3A_27 : memref<1x512xf32, #tpu.memory_space<hbm>> -> memref<512xf32, #tpu.memory_space<hbm>>
      tpu.wait_dma2 semaphore(%run_scoped3A_22 : memref<!tpu.dma_semaphore, #tpu.memory_space<semaphore_mem>>) src(%arg10 : memref<512xf32, #tpu.memory_space<vmem>>) dst(%dma_wait3A_28 : memref<512xf32, #tpu.memory_space<hbm>>)
      tpu.yield
    }) : () -> ()
    %run_scoped3A_21 = arith.constant 1 : i32
    "tpu.region"() ({
      %run_scoped3A_22 = tpu.sem_alloc : memref<!tpu.dma_semaphore, #tpu.memory_space<semaphore_mem>>
      %dma_start3A = tpu.memref_slice %arg6[%run_scoped3A_21, %mul3A_2] : memref<2x16384xf32, #tpu.memory_space<hbm>> -> memref<1x512xf32, #tpu.memory_space<hbm>>
      %dma_start3A_23 = tpu.memref_squeeze %dma_start3A : memref<1x512xf32, #tpu.memory_space<hbm>> -> memref<512xf32, #tpu.memory_space<hbm>>
      %dma_start3A_24 = tpu.memref_slice %arg6[%run_scoped3A_21, %mul3A_2] : memref<2x16384xf32, #tpu.memory_space<hbm>> -> memref<1x512xf32, #tpu.memory_space<hbm>>
      %dma_start3A_25 = tpu.memref_squeeze %dma_start3A_24 : memref<1x512xf32, #tpu.memory_space<hbm>> -> memref<512xf32, #tpu.memory_space<hbm>>
      tpu.enqueue_dma source(%arg11 : memref<512xf32, #tpu.memory_space<vmem>>) target(%dma_start3A_25 : memref<512xf32, #tpu.memory_space<hbm>>) target_semaphore(%run_scoped3A_22 : memref<!tpu.dma_semaphore, #tpu.memory_space<semaphore_mem>>)
      %dma_wait3A = tpu.memref_slice %arg6[%run_scoped3A_21, %mul3A_2] : memref<2x16384xf32, #tpu.memory_space<hbm>> -> memref<1x512xf32, #tpu.memory_space<hbm>>
      %dma_wait3A_26 = tpu.memref_squeeze %dma_wait3A : memref<1x512xf32, #tpu.memory_space<hbm>> -> memref<512xf32, #tpu.memory_space<hbm>>
      %dma_wait3A_27 = tpu.memref_slice %arg6[%run_scoped3A_21, %mul3A_2] : memref<2x16384xf32, #tpu.memory_space<hbm>> -> memref<1x512xf32, #tpu.memory_space<hbm>>
      %dma_wait3A_28 = tpu.memref_squeeze %dma_wait3A_27 : memref<1x512xf32, #tpu.memory_space<hbm>> -> memref<512xf32, #tpu.memory_space<hbm>>
      tpu.wait_dma2 semaphore(%run_scoped3A_22 : memref<!tpu.dma_semaphore, #tpu.memory_space<semaphore_mem>>) src(%arg11 : memref<512xf32, #tpu.memory_space<vmem>>) dst(%dma_wait3A_28 : memref<512xf32, #tpu.memory_space<hbm>>)
      tpu.yield
    }) : () -> ()
    return
  }
}

module attributes {stable_mosaic.version = 14 : i64} {
  func.func @_project_body(%arg0: i32, %arg1: memref<8x64xf32, #tpu.memory_space<vmem>>, %arg2: memref<64x50176xf32, #tpu.memory_space<vmem>>, %arg3: memref<50176xf32, #tpu.memory_space<vmem>>, %arg4: memref<50176xf32, #tpu.memory_space<vmem>>) attributes {dimension_semantics = [#tpu.dimension_semantics<arbitrary>], iteration_bounds = array<i64: 20>, scalar_prefetch = 0 : i64, scratch_operands = 0 : i64, tpu.core_type = #tpu.core_type<tc>, window_params = [{pipeline_mode = #tpu.pipeline_mode<synchronous>, transform_indices = @transform_0, window_bounds = array<i64: 8, 64>}, {transform_indices = @transform_1, window_bounds = array<i64: 64, 50176>}, {transform_indices = @transform_2, window_bounds = array<i64: 50176>}, {transform_indices = @transform_3, window_bounds = array<i64: 50176>}]} {
    %get3A = arith.constant 0 : index
    %get3A_0 = arith.constant 0 : index
    %get3A_1 = vector.load %arg1[%get3A, %get3A_0] : memref<8x64xf32, #tpu.memory_space<vmem>>, vector<8x64xf32>
    %get3A_2 = arith.constant 0 : index
    %get3A_3 = arith.constant 0 : index
    %get3A_4 = vector.load %arg2[%get3A_2, %get3A_3] : memref<64x50176xf32, #tpu.memory_space<vmem>>, vector<64x50176xf32>
    %dot_general3A = arith.constant dense<0.000000e+00> : vector<8x50176xf32>
    %dot_general3A_5 = tpu.matmul %get3A_1, %get3A_4, %dot_general3A {dimension_numbers = #tpu.dot_dimension_numbers<[1], [0], [0], [1], [0, 0, 1, 1], [], []>, precision = #tpu.contract_precision<fp32>, transpose_lhs_hint = false} : vector<8x64xf32>, vector<64x50176xf32>, vector<8x50176xf32> -> vector<8x50176xf32>
    %slice3A = vector.extract_strided_slice %dot_general3A_5 {offsets = [0, 0], sizes = [1, 50176], strides = [1, 1]} : vector<8x50176xf32> to vector<1x50176xf32>
    %squeeze3A = vector.shape_cast %slice3A : vector<1x50176xf32> to vector<50176xf32>
    %swap3A = arith.constant 0 : index
    %swap3A_6 = vector.load %arg3[%swap3A] : memref<50176xf32, #tpu.memory_space<vmem>>, vector<50176xf32>
    tpu.vector_store %arg3[%swap3A], %squeeze3A {strides = array<i32>} : memref<50176xf32, #tpu.memory_space<vmem>>, vector<50176xf32>,
    %slice3A_7 = vector.extract_strided_slice %dot_general3A_5 {offsets = [1, 0], sizes = [1, 50176], strides = [1, 1]} : vector<8x50176xf32> to vector<1x50176xf32>
    %squeeze3A_8 = vector.shape_cast %slice3A_7 : vector<1x50176xf32> to vector<50176xf32>
    %swap3A_9 = arith.constant 0 : index
    %swap3A_10 = vector.load %arg4[%swap3A_9] : memref<50176xf32, #tpu.memory_space<vmem>>, vector<50176xf32>
    tpu.vector_store %arg4[%swap3A_9], %squeeze3A_8 {strides = array<i32>} : memref<50176xf32, #tpu.memory_space<vmem>>, vector<50176xf32>,
    return
  }
  func.func @transform_0(%arg0: i32) -> (i32, i32) {
    %c0_i32 = arith.constant 0 : i32
    %c0_i32_0 = arith.constant 0 : i32
    %c0_i32_1 = arith.constant 0 : i32
    return %c0_i32, %c0_i32_0 : i32, i32
  }
  func.func @transform_1(%arg0: i32) -> (i32, i32) {
    %c0_i32 = arith.constant 0 : i32
    %c0_i32_0 = arith.constant 0 : i32
    return %c0_i32, %arg0 : i32, i32
  }
  func.func @transform_2(%arg0: i32) -> i32 {
    %c0_i32 = arith.constant 0 : i32
    return %arg0 : i32
  }
  func.func @transform_3(%arg0: i32) -> i32 {
    %c0_i32 = arith.constant 0 : i32
    return %arg0 : i32
  }
}

</mosaic_0001>

<sc_bundles>
// kernel: kernel.4.cloned.1.call-start
scs
__scs_entry_jumppad:
0x0: {  	(pc) =	sbr.rel $0x88, $3  }
0x1: {  	(tag) =	ssettag $0x0;
	lr =	simm.s32 $0x1  }
0x2: {  	[smem:$0x3F9D] =	sst lr;
	_ =	strace $0xD0000000  }
0x3: {  	_ = 	snop  }
0x4: {  	_ = 	snop  }
0x5: {  	_ = 	snop  }
0x6: {  	_ = 	snop  }
0x7: {  	_ = 	snop  }
__scs_overlays_trampoline_lowered:
0x8: {  	[smem:$0x3FAC] =	sst s0  }
0x9: {  	[smem:$0x3FAD] =	sst s1  }
0xa: {  	[smem:$0x3FAE] =	sst s2  }
0xb: {  	[smem:$0x3FAF] =	sst s3  }
0xc: {  	[smem:$0x3FB0] =	sst s4  }
0xd: {  	[smem:$0x3FB1] =	sst s5  }
0xe: {  	[smem:$0x3FB2] =	sst s6  }
0xf: {  	[smem:$0x3FB3] =	sst s7  }
0x10: {  	[smem:$0x3FB4] =	sst s8  }
0x11: {  	[smem:$0x3FB5] =	sst s9;
	s0 =	simm.s32 @!p0 $0x0  }
0x12: {  	s1 =	sld [smem:$0x3F9B];
	s0 =	simm.s32 @p0 $0x1  }
0x13: {  	[smem:$0x3FB6] =	sst s0;
	s0 =	simm.s32 @!p1 $0x0  }
0x14: {  	s2 =	sld [smem:$0x3F9A];
	s0 =	simm.s32 @p1 $0x1  }
0x15: {  	[smem:$0x3FB7] =	sst s0;
	s0 =	simm.s32 @!p2 $0x0  }
0x16: {  	s3 =	sld [smem:$0x3FDB];
	s0 =	simm.s32 @p2 $0x1  }
0x17: {  	s4 =	simm.s32 $0x1BF5;
	[smem:$0x3FB9] =	sst s0  }
0x18: {  	s0 =	sld [smem:$0x3F9C];
	_ =	swait.ge [sflag:s4], $0x0  }
0x19: {  	s7 =	sld [smem:$0x3F9D]  }
0x1a: {  	s8 =	sadd.s32 $0xFFFFE003, lr  }
0x1b: {  	s9 =	sadd.s32 $0xFFFFFEF7, lr;
	s5 =	simm.s32 $0xFFFFFFFF;
	p2 =	slt.u32 s8, $0xFFFFF086  }
0x1c: {  	p1 =	slt.u32 s9, $0xF7A;
	s5 =	simm.s32 @!p2 $0x0  }
0x1d: {  	s5 =	simm.s32 @p1 $0x1;
	p0 =	seq.s32 s7, s2  }
0x1e: {  	s7 =	smul.u32 @!p0 $0xF7A, s2;
	p2 =	seq.s32 @!p0 s5, $0x0  }
0x1f: {  	s9 =	smul.u32 $0xF7A, s1;
	s8 =	simm.s32 @!p0 $0x1BF5;
	p2 =	por !p2, p0  }
0x20: {  	[sflag:s8] =	ssyncset.s32 @!p0 $0xFFFFF086;
	s6 =	sadd.s32 @!p0 s3, s7;
	s7 =	simm.s32 @!p0 $0x108  }
0x21: {  	s3 =	sadd.s32 s3, s9;
	s6 =	sadd.s32 @!p0 $0x88, s6;
	s7 =	simm.s32 @p2 $0x1082  }
0x22: {  	[simem:s7], [sflag:s8] =	dma.local @!p0 [hbm:s6], $0xF7A  }
0x23: {  	s9 =	sor.u32 $0xD0000000, s2;
	s6 =	simm.s32 $0x108;
	_ =	swait.ge @!p0 [sflag:s8], $0x0  }
0x24: {  	s3 =	sadd.s32 $0x88, s3;
	s6 =	simm.s32 @!p1 $0x1082;
	[sflag:s4] =	ssyncset.s32 $0xFFFFF086  }
0x25: {  	[simem:s6], [sflag:s4] =	dma.local [hbm:s3], $0xF7A  }
0x26: {  	[smem:$0x3F9D] =	sst s1;
	(tag) =	ssettag s2;
	_ =	strace s9  }
0x27: {  	s1 =	sld [smem:$0x3FAD]  }
0x28: {  	s2 =	sld [smem:$0x3FAE]  }
0x29: {  	s4 =	sld [smem:$0x3FB0]  }
0x2a: {  	p0 =	seq.s32 s5, $0x0;
	s5 =	sld [smem:$0x3FB1]  }
0x2b: {  	s6 =	sld [smem:$0x3FB2]  }
0x2c: {  	s7 =	sld [smem:$0x3FB3]  }
0x2d: {  	s3 =	simm.s32 $0x108;
	s8 =	sld [smem:$0x3FB4]  }
0x2e: {  	s3 =	simm.s32 @!p0 $0x1082;
	s9 =	sld [smem:$0x3FB5]  }
0x2f: {  	lr =	sadd.s32 s0, s3;
	s0 =	sld [smem:$0x3FAC]  }
0x30: {  	s3 =	sld [smem:$0x3FAF]  }
0x31: {  	[smem:$0x3FB8] =	sst s10  }
0x32: {  	s10 =	sld [smem:$0x3FB6];
	_ =	sdelay $0x3  }
0x33: {  	p0 =	seq.s32 s10, $0x1;
	s10 =	sld [smem:$0x3FB8];
	_ =	sdelay $0x3  }
0x34: {  	[smem:$0x3FB8] =	sst s10  }
0x35: {  	s10 =	sld [smem:$0x3FB7];
	_ =	sdelay $0x3  }
0x36: {  	p1 =	seq.s32 s10, $0x1;
	s10 =	sld [smem:$0x3FB8];
	_ =	sdelay $0x3  }
0x37: {  	[smem:$0x3FB8] =	sst s10  }
0x38: {  	s10 =	sld [smem:$0x3FB9]  }
0x39: {  	_ = 	snop;
	(pc) =	sbr.ind lr, $3  }
0x3a: {  	_ = 	snop  }
0x3b: {  	_ = 	snop  }
0x3c: {  	p2 =	seq.s32 s10, $0x1;
	s10 =	sld [smem:$0x3FB8]  }
0x3d: {  	_ =	shalt  }
0x3e: {  	_ =	shalt  }
0x3f: {  	_ =	shalt  }
0x40: {  	_ =	shalt  }
0x41: {  	_ =	shalt  }
0x42: {  	_ =	shalt  }
0x43: {  	_ =	shalt  }
0x44: {  	_ =	shalt  }
0x45: {  	_ =	shalt  }
0x46: {  	_ =	shalt  }
0x47: {  	_ =	shalt  }
0x48: {  	_ =	shalt  }
0x49: {  	_ =	shalt  }
0x4a: {  	_ =	shalt  }
0x4b: {  	_ =	shalt  }
0x4c: {  	_ =	shalt  }
0x4d: {  	_ =	shalt  }
0x4e: {  	_ =	shalt  }
0x4f: {  	_ =	shalt  }
0x50: {  	_ =	shalt  }
0x51: {  	_ =	shalt  }
0x52: {  	_ =	shalt  }
0x53: {  	_ =	shalt  }
0x54: {  	_ =	shalt  }
0x55: {  	_ =	shalt  }
0x56: {  	_ =	shalt  }
0x57: {  	_ =	shalt  }
0x58: {  	_ =	shalt  }
0x59: {  	_ =	shalt  }
0x5a: {  	_ =	shalt  }
0x5b: {  	_ =	shalt  }
0x5c: {  	_ =	shalt  }
0x5d: {  	_ =	shalt  }
0x5e: {  	_ =	shalt  }
0x5f: {  	_ =	shalt  }
0x60: {  	_ =	shalt  }
0x61: {  	_ =	shalt  }
0x62: {  	_ =	shalt  }
0x63: {  	_ =	shalt  }
0x64: {  	_ =	shalt  }
0x65: {  	_ =	shalt  }
0x66: {  	_ =	shalt  }
0x67: {  	_ =	shalt  }
0x68: {  	_ =	shalt  }
0x69: {  	_ =	shalt  }
0x6a: {  	_ =	shalt  }
0x6b: {  	_ =	shalt  }
0x6c: {  	_ =	shalt  }
0x6d: {  	_ =	shalt  }
0x6e: {  	_ =	shalt  }
0x6f: {  	_ =	shalt  }
0x70: {  	_ =	shalt  }
0x71: {  	_ =	shalt  }
0x72: {  	_ =	shalt  }
0x73: {  	_ =	shalt  }
0x74: {  	_ =	shalt  }
0x75: {  	_ =	shalt  }
0x76: {  	_ =	shalt  }
0x77: {  	_ =	shalt  }
0x78: {  	_ =	shalt  }
0x79: {  	_ =	shalt  }
0x7a: {  	_ =	shalt  }
0x7b: {  	_ =	shalt  }
0x7c: {  	_ =	shalt  }
0x7d: {  	_ =	shalt  }
0x7e: {  	_ =	shalt  }
0x7f: {  	_ =	shalt  }
0x80: {  	_ =	shalt  }
0x81: {  	_ =	shalt  }
0x82: {  	_ =	shalt  }
0x83: {  	_ =	shalt  }
0x84: {  	_ =	shalt  }
0x85: {  	_ =	shalt  }
0x86: {  	_ =	shalt  }
0x87: {  	_ =	shalt  }
.Lfunc_end0:
.L_simem_size_0:
called_computation_lowered:
.L_overlay_start_0:
0x88: {  	s2 =	sld [smem:$0x3FD9]  }
0x89: {  	s3 =	sld [smem:$0x3FFE];
	_ =	sdelay $0x1  }
0x8a: {  	s1 =	srdreg.scid  }
0x8b: {  	s0 =	sand.u32 $0x1, s1  }
0x8c: {  	s17 =	sshll.u32 s0, $0xA;
	s2 =	sadd.s32 s3, s2  }
0x8d: {  	s2 =	sadd.s32 s2, s17  }
0x8e: {  	[smem:$0x3FC4] =	sst s2  }
0x8f: {  	_ = 	snop  }
0x90: {  	s2 =	sld [smem:$0x3FD0];
	(tm) =	ssettm $0x1  }
0x91: {  	s18 =	sld [smem:$0x3FFB];
	_ =	sdelay $0x3  }
0x92: {  	_ =	strace s18  }
0x93: {  	s3 =	sld [smem:$0x3FFC];
	_ =	sdelay $0x3  }
0x94: {  	_ =	strace s3  }
0x95: {  	s3 =	sld [smem:$0x3FFD];
	_ =	sdelay $0x3  }
0x96: {  	_ =	strace s3  }
0x97: {  	_ =	strace $0x8FFFFFFF  }
0x98: {  	s19 =	sld [smem:$0x3FDB];
	_ =	sdelay $0x1  }
0x99: {  	s4 =	simm.s32 $_scs_section_size  }
0x9a: {  	s5 =	simm.s32 $_size__tile_overlayer_lowered;
	s6 =	simm.s32 $_tile_overlayer_lowered  }
0x9b: {  	s22 =	simm.s32 $0x1BFF;
	s21 =	sshll.u32 s6, $0x1;
	s3 =	sadd.s32 s4, s19  }
0x9c: {  	s7 =	simm.s32 $0x0;
	s20 =	sshll.u32 s5, $0x1;
	s5 =	sadd.s32 s21, s3  }
0x9d: {  	[timem:s7], [sflag:s22] =	dma.local [hbm:s5], s20  }
0x9e: {  	_ =	swait.ge [sflag:s22], s20  }
0x9f: {  	s4 =	ssub.s32 $0x0, s20;
	[sflag:s22] =	ssyncset.done $0x0  }
0xa0: {  	[sflag:s22] =	ssyncadd.s32 s4;
	_ =	sdelay $0x1  }
0xa1: {  	s23 =	simm.s32 $0x1B8B  }
0xa2: {  	_ =	swait.ge [sflag:s23], $0x1  }
0xa3: {  	[sflag:s23] =	ssyncset.done $0x0  }
0xa4: {  	s25 =	simm.s32 $0x1B8E;
	s24 =	sld [smem:$0x3FFE];
	[sflag:s23] =	ssyncadd.s32 $0xFFFFFFFF  }
0xa5: {  	s26 =	simm.s32 $execute0_lowered;
	[smem:$0x3FD2] =	sst s25  }
0xa6: {  	s5 =	sshll.u32 s26, $0x1;
	_ =	strace $0x80000046;
	[dreg:$0x1] =	wrdreg $0xFFFFFFFF  }
0xa7: {  	s28 =	simm.s32 $_size_execute0_lowered;
	s3 =	sadd.s32 s3, s5;
	[dreg:$0x0] =	wrdreg $0x0  }
0xa8: {  	s5 =	sshll.u32 s28, $0x1;
	[dreg:$0x2] =	wrdreg s3  }
0xa9: {  	[dreg:$0x3] =	wrdreg s5  }
0xaa: {  	[dreg:$0x4] =	wrdreg $0xC0  }
0xab: {  	_ =	task [dreg:s7], $0x5FFFF  }
0xac: {  	[dreg:$0x1] =	wrdreg $0xFFFFFFFF  }
0xad: {  	[dreg:$0x0] =	wrdreg $0x60  }
0xae: {  	[dreg:$0x2] =	wrdreg s24  }
0xaf: {  	[dreg:$0x3] =	wrdreg s2  }
0xb0: {  	[dreg:$0x4] =	wrdreg $0x9  }
0xb1: {  	_ =	task.clear_ibuf [dreg:s7], $0x5FFFF;
	_ =	strace $0x90000046  }
0xb2: {  	s29 =	simm.s32 $0x9;
	_ =	strace $0x80000048  }
0xb3: {  	_ =	swait.ge [sflag:s29], $0x1  }
0xb4: {  	[sflag:s29] =	ssyncadd.s32 $0xFFFFFFFF  }
0xb5: {  	_ =	strace $0x90000048  }
0xb6: {  	_ =	sfence  }
0xb7: {  	s30 =	sld [smem:$0x0];
	_ =	sdelay $0x2  }
0xb8: {  	s31 =	sshll.u32 s1, $0xD;
	s1 =	sshrl.u32 s1, $0x2  }
0xb9: {  	s3 =	sand.u32 $0x4000, s31;
	s1 =	sadd.s32 s1, s30  }
0xba: {  	s0 =	sor.u32 s3, s0;
	s1 =	sshll.u32 s1, $0x11  }
0xbb: {  	s0 =	sor.u32 s1, s0  }
0xbc: {  	s0 =	sadd.s32 $0x8F2B, s0  }
0xbd: {  	[sflag:s0] =	ssyncadd.remote.s32 $0x1  }
0xbe: {  	_ =	sfence.sel $0xFFFF  }
0xbf: {  	[dreg:$0x0] =	wrdreg $0xFFFFFFFF;
	(pc) =	sbr.abs _section_cstart, $3  }
0xc0: {  	[dreg:$0x1] =	wrdreg $0xFFFFFFFF  }
0xc1: {  	_ =	task.clear_ibuf [dreg:s7], $0x2FFFF;
	_ =	strace $0x9FFFFFFF  }
0xc2: {  	(tm) =	ssettm $0x7FFFFFFF  }
0xc3: {  	_ =	shalt  }
tec
execute0_lowered:
.L_overlay_start_1:
0x0: {  	(tag) =	ssettag $0x1  }
0x1: {  	s0 =	rddreg [dreg:$0x0];
	s1 =	srdreg.scid  }
0x2: {  	s3 =	simm.s32 $0x0;
	s2 =	stileid.u32;
	s10 =	simm.s32 $0x200  }
0x3: {  	s12 =	simm.s32 $0x11;
	s14 =	simm.s32 $0x80;
	s19 =	simm.s32 $0x400  }
0x4: {  	s22 =	simm.s32 $0x600;
	s25 =	simm.s32 $0x800;
	s29 =	simm.s32 $0xA00  }
0x5: {  	s11 =	simm.s32 $0xE00;
	s18 =	simm.s32 $0x0;
	s1 =	sand.u32 $0x1, s1  }
0x6: {  	[smem:$0x7FF] =	sst s3;
	s2 =	sshll.u32 s2, $0x7;
	s4 =	sshll.u32 s1, $0x6  }
0x7: {  	s5 =	sadd.s32 $0x38600, s0;
	s1 =	ssub.s32 $0x2, s1;
	s2 =	sor.u32 s4, s2  }
0x8: {  	_ =	strace $0x80000047;
	s6 =	sshrl.u32 s1, $0x1;
	s2 =	sadd.s32 s2, s0  }
0x9: {  	s4 =	sadd.s32 $0x19C00, s0;
	s28 =	ssub.s32 s1, s6;
	s30 =	sadd.s32 $0xC00, s2  }
0xa: {  	s0 =	simm.s32 $0xC00;
	s31 =	sadd.s32 $0x57000, s2;
	[dreg:$0x3] =	wrdreg s30  }
0xb: {  	s8 =	sadd.s32 $0x57800, s2;
	s9 =	smax.u32 s28, $0x1;
	[dreg:$0x4] =	wrdreg s31  }
.LBB2_1:
0xc: {  	s1 =	rddreg [dreg:$0x3];
	s2 =	simm.s32 $0x4000  }
0xd: {  	[tilespmem:s3], [sflag:$0x11] =	stream.strided.gather [hbm4b:s1+s10], $0x6400, s2, s10, $0x38;
	[tilespmem:$0x7020] =	vst v63  }
0xe: {  	_ =	swait.ge [sflag:s12], $0x6400  }
0xf: {  	[sflag:s12] =	ssyncset.done $0x0  }
0x10: {  	[sflag:s12] =	ssyncadd.s32 $0xFFFF9C00  }
0x11: {  	s30 =	simm.s32 $0x7000;
	s28 =	rddreg [dreg:$0x1]  }
0x12: {  	[tilespmem:s30], [sflag:$0x11] =	stream.linear.gather [hbm4b:s28+s3], $0x20, $0x38;
	[tilespmem:$0x7020] =	vst v63  }
0x13: {  	_ =	swait.ge [sflag:s12], $0x20  }
0x14: {  	[sflag:s12] =	ssyncset.done $0x0  }
0x15: {  	s31 =	simm.s32 $0x6400;
	[sflag:s12] =	ssyncadd.s32 $0xFFFFFFE0  }
0x16: {  	[tilespmem:s31], [sflag:$0x1] =	stream.indirect.gather [hbm4b:s4+s14], $0x1, s3, s14, $0xb8;
	[tilespmem:$0x7020] =	vst v63  }
0x17: {  	s2 =	simm.s32 $0x6800  }
0x18: {  	[tilespmem:s2], [sflag:$0x9] =	stream.indirect.gather [hbm4b:s5+s14], $0x1, s3, s14, $0xb8;
	[tilespmem:$0x7020] =	vst v63  }
0x19: {  	s6 =	simm.s32 $0x6480  }
0x1a: {  	[tilespmem:s6], [sflag:$0x2] =	stream.indirect.gather [hbm4b:s4+s14], $0x1, s10, s14, $0xb8;
	[tilespmem:$0x7020] =	vst v63  }
0x1b: {  	s7 =	simm.s32 $0x6880  }
0x1c: {  	[tilespmem:s7], [sflag:$0xA] =	stream.indirect.gather [hbm4b:s5+s14], $0x1, s10, s14, $0xb8;
	[tilespmem:$0x7020] =	vst v63  }
0x1d: {  	s13 =	simm.s32 $0x6500  }
0x1e: {  	[tilespmem:s13], [sflag:$0x3] =	stream.indirect.gather [hbm4b:s4+s14], $0x1, s19, s14, $0xb8;
	[tilespmem:$0x7020] =	vst v63  }
0x1f: {  	s15 =	simm.s32 $0x6900  }
0x20: {  	[tilespmem:s15], [sflag:$0xB] =	stream.indirect.gather [hbm4b:s5+s14], $0x1, s19, s14, $0xb8;
	[tilespmem:$0x7020] =	vst v63  }
0x21: {  	s16 =	simm.s32 $0x6580  }
0x22: {  	[tilespmem:s16], [sflag:$0x4] =	stream.indirect.gather [hbm4b:s4+s14], $0x1, s22, s14, $0xb8;
	[tilespmem:$0x7020] =	vst v63  }
0x23: {  	s17 =	simm.s32 $0x6980  }
0x24: {  	[tilespmem:s17], [sflag:$0xC] =	stream.indirect.gather [hbm4b:s5+s14], $0x1, s22, s14, $0xb8;
	[tilespmem:$0x7020] =	vst v63  }
0x25: {  	s20 =	simm.s32 $0x6600  }
0x26: {  	[tilespmem:s20], [sflag:$0x5] =	stream.indirect.gather [hbm4b:s4+s14], $0x1, s25, s14, $0xb8;
	[tilespmem:$0x7020] =	vst v63  }
0x27: {  	s21 =	simm.s32 $0x6A00  }
0x28: {  	[tilespmem:s21], [sflag:$0xD] =	stream.indirect.gather [hbm4b:s5+s14], $0x1, s25, s14, $0xb8;
	[tilespmem:$0x7020] =	vst v63  }
0x29: {  	s23 =	simm.s32 $0x6680  }
0x2a: {  	[tilespmem:s23], [sflag:$0x6] =	stream.indirect.gather [hbm4b:s4+s14], $0x1, s29, s14, $0xb8;
	[tilespmem:$0x7020] =	vst v63  }
0x2b: {  	s24 =	simm.s32 $0x6A80  }
0x2c: {  	[tilespmem:s24], [sflag:$0xE] =	stream.indirect.gather [hbm4b:s5+s14], $0x1, s29, s14, $0xb8;
	[tilespmem:$0x7020] =	vst v63  }
0x2d: {  	s26 =	simm.s32 $0x6700  }
0x2e: {  	[tilespmem:s26], [sflag:$0x7] =	stream.indirect.gather [hbm4b:s4+s14], $0x1, s0, s14, $0xb8;
	[tilespmem:$0x7020] =	vst v63  }
0x2f: {  	s28 =	simm.s32 $0x6B00  }
0x30: {  	[tilespmem:s28], [sflag:$0xF] =	stream.indirect.gather [hbm4b:s5+s14], $0x1, s0, s14, $0xb8;
	[tilespmem:$0x7020] =	vst v63  }
0x31: {  	s30 =	simm.s32 $0x6780;
	s31 =	simm.s32 $0x6B80;
	s20 =	simm.s32 $0x1000  }
0x32: {  	[tilespmem:s30], [sflag:$0x8] =	stream.indirect.gather [hbm4b:s4+s14], $0x1, s11, s14, $0xb8;
	[tilespmem:$0x7020] =	vst v63  }
0x33: {  	s21 =	simm.s32 $0x8;
	s23 =	simm.s32 $0x0;
	s24 =	simm.s32 $0x0  }
0x34: {  	[tilespmem:s31], [sflag:$0x10] =	stream.indirect.gather [hbm4b:s5+s14], $0x1, s11, s14, $0xb8;
	[tilespmem:$0x7020] =	vst v63  }
.LBB2_2:
0x35: {  	s1 =	sadd.s32 $0x0, s23  }
0x36: {  	s2 =	sand.u32 $0x7, s1  }
0x37: {  	s13 =	sadd.s32 $0x1, s2  }
0x38: {  	_ =	swait.ge [sflag:s13], $0x80  }
0x39: {  	[sflag:s13] =	ssyncset.done $0x0  }
0x3a: {  	s15 =	sshll.u32 s2, $0x7;
	[sflag:s13] =	ssyncadd.s32 $0xFFFFFF80  }
0x3b: {  	v1 =	vld [tilespmem:s15+$0x6400]  }
0x3c: {  	v2 =	vld [tilespmem:s15+$0x6420]  }
0x3d: {  	v3 =	vld [tilespmem:s15+$0x6430]  }
0x3e: {  	v5 =	vld [tilespmem:s15+$0x6440]  }
0x3f: {  	v8 =	vld [tilespmem:s15+$0x6450]  }
0x40: {  	v9 =	vld [tilespmem:s15+$0x6460]  }
0x41: {  	s2 =	sadd.s32 $0x9, s2;
	v10 =	vld [tilespmem:s15+$0x6470]  }
0x42: {  	v11 =	vld [tilespmem:s15+$0x6410];
	_ =	swait.ge [sflag:s2], $0x80  }
0x43: {  	[sflag:s2] =	ssyncset.done $0x0  }
0x44: {  	[sflag:s2] =	ssyncadd.s32 $0xFFFFFF80  }
0x45: {  	s16 =	smulhi.u32 $0x51EB851F, s21;
	v12 =	vld [tilespmem:s15+$0x6800]  }
0x46: {  	v14 =	vld [tilespmem:s15+$0x6810]  }
0x47: {  	s16 =	sshrl.u32 s16, $0x4;
	v17 =	vld [tilespmem:s15+$0x6820]  }
0x48: {  	v0 =	vimm.f32 $0.0e+00;
	s16 =	smul.u32 $0xFFFE7200, s16;
	v18 =	vld [tilespmem:s15+$0x6830]  }
0x49: {  	v19 =	vld [tilespmem:s15+$0x6840];
	v7 =	vadd.f32 v1, v0  }
0x4a: {  	s26 =	sadd.s32 $0x1, s23;
	p0 =	sgt.u32 s1, $0xBF;
	s16 =	sshra.s32 s16, $0x2;
	v20 =	vld [tilespmem:s15+$0x6850];
	v6 =	vadd.f32 v2, v0;
	v4 =	vadd.f32 v3, v0  }
0x4b: {  	s28 =	simm.s32 @!p0 $0x80;
	s1 =	sadd.s32 s16, s20;
	s16 =	sor.u32 $0x6400, s15;
	v21 =	vld [tilespmem:s15+$0x6860];
	v5 =	vadd.f32 v5, v0;
	v2 =	vadd.f32 v8, v0  }
0x4c: {  	v16 =	vld [tilespmem:s15+$0x6870];
	[tilespmem:s16], [sflag:s13] =	stream.indirect.gather @!p0 [hbm4b:s4+s28], $0x1, s1, s28, $0xb8;
	v3 =	vadd.f32 v9, v0;
	v1 =	vadd.f32 v10, v0  }
0x4d: {  	s30 =	sadd.s32 $0x1, s21;
	s13 =	sand.u32 $0x7, s26;
	s15 =	sor.u32 $0x6800, s15;
	v13 =	vadd.f32 v11, v0;
	v15 =	vadd.f32 v12, v0  }
0x4e: {  	[tilespmem:s15], [sflag:s2] =	stream.indirect.gather @!p0 [hbm4b:s5+s28], $0x1, s1, s28, $0xb8;
	v14 =	vadd.f32 v14, v0;
	v11 =	vadd.f32 v17, v0;
	[tilespmem:$0x7020] =	vst v63  }
0x4f: {  	s31 =	sadd.s32 $0x200, s20;
	s28 =	sadd.s32 $0x1, s13;
	s2 =	simm.s32 $0x2;
	v12 =	vadd.f32 v18, v0;
	v10 =	vadd.f32 v19, v0  }
0x50: {  	s15 =	sadd.s32 $0x1, s30;
	s1 =	smov.u32 s31;
	_ =	swait.ge [sflag:s28], $0x80;
	v9 =	vadd.f32 v20, v0;
	v8 =	vadd.f32 v21, v0  }
.LBB2_3:
0x51: {  	[sflag:s28] =	ssyncset.done $0x0  }
0x52: {  	s31 =	sadd.s32 $0x200, s31;
	v0 =	vadd.f32 v16, v0;
	s17 =	smov.u32 s2;
	s2 =	sadd.s32 $0x1, s2  }
0x53: {  	s16 =	sshll.u32 s13, $0x7;
	p0 =	sne.s32 s2, $0x32;
	[sflag:s28] =	ssyncadd.s32 $0xFFFFFF80  }
0x54: {  	v16 =	vld [tilespmem:s16+$0x6400]  }
0x55: {  	v17 =	vld [tilespmem:s16+$0x6420]  }
0x56: {  	v18 =	vld [tilespmem:s16+$0x6430]  }
0x57: {  	v19 =	vld [tilespmem:s16+$0x6440]  }
0x58: {  	v20 =	vld [tilespmem:s16+$0x6450]  }
0x59: {  	v7 =	vadd.f32 v16, v7;
	v16 =	vld [tilespmem:s16+$0x6460]  }
0x5a: {  	v6 =	vadd.f32 v17, v6;
	v17 =	vld [tilespmem:s16+$0x6470]  }
0x5b: {  	s6 =	sadd.s32 $0x9, s13;
	v21 =	vld [tilespmem:s16+$0x6410];
	v4 =	vadd.f32 v18, v4  }
0x5c: {  	v5 =	vadd.f32 v19, v5;
	_ =	swait.ge [sflag:s6], $0x80  }
0x5d: {  	v2 =	vadd.f32 v20, v2;
	[sflag:s6] =	ssyncset.done $0x0  }
0x5e: {  	v3 =	vadd.f32 v16, v3;
	[sflag:s6] =	ssyncadd.s32 $0xFFFFFF80  }
0x5f: {  	v1 =	vadd.f32 v17, v1;
	v16 =	vld [tilespmem:s16+$0x6800]  }
0x60: {  	s13 =	smulhi.u32 $0x51EB851F, s30;
	s30 =	smov.u32 s15;
	v13 =	vadd.f32 v21, v13;
	v17 =	vld [tilespmem:s16+$0x6810]  }
0x61: {  	v18 =	vld [tilespmem:s16+$0x6820]  }
0x62: {  	s17 =	sadd.s32 s17, s23;
	s7 =	sshrl.u32 s13, $0x4;
	v19 =	vld [tilespmem:s16+$0x6830]  }
0x63: {  	s13 =	sand.u32 $0x7, s17;
	s7 =	smul.u32 $0xFFFE7200, s7;
	v20 =	vld [tilespmem:s16+$0x6840]  }
0x64: {  	p1 =	sgt.u32 s26, $0xBF;
	v15 =	vadd.f32 v16, v15;
	v21 =	vld [tilespmem:s16+$0x6850]  }
0x65: {  	s26 =	smov.u32 s17;
	s17 =	simm.s32 @!p1 $0x80;
	s7 =	sshra.s32 s7, $0x2;
	v14 =	vadd.f32 v17, v14;
	v17 =	vld [tilespmem:s16+$0x6860]  }
.Ltmp0:
0x66: {  	s7 =	sadd.s32 s7, s1;
	s1 =	sor.u32 $0x6400, s16;
	v11 =	vadd.f32 v18, v11;
	v16 =	vld [tilespmem:s16+$0x6870];
	(pc) =	sbr.rel @p0 .LBB2_3-.Ltmp0, $4  }
0x67: {  	v12 =	vadd.f32 v19, v12;
	[tilespmem:s1], [sflag:s28] =	stream.indirect.gather @!p1 [hbm4b:s4+s17], $0x1, s7, s17, $0xb8;
	[tilespmem:$0x7020] =	vst v63  }
0x68: {  	s16 =	sor.u32 $0x6800, s16;
	s28 =	sadd.s32 $0x1, s13;
	s1 =	smov.u32 s31;
	v10 =	vadd.f32 v20, v10  }
0x69: {  	v9 =	vadd.f32 v21, v9;
	[tilespmem:s16], [sflag:s6] =	stream.indirect.gather @!p1 [hbm4b:s5+s17], $0x1, s7, s17, $0xb8;
	[tilespmem:$0x7020] =	vst v63  }
0x6a: {  	s15 =	sadd.s32 $0x1, s15;
	_ =	swait.ge [sflag:s28], $0x80;
	v8 =	vadd.f32 v17, v8  }
0x6b: {  	[sflag:s28] =	ssyncset.done $0x0  }
0x6c: {  	s2 =	sshll.u32 s13, $0x7;
	[sflag:s28] =	ssyncadd.s32 $0xFFFFFF80  }
0x6d: {  	v17 =	vld [tilespmem:s2+$0x6400]  }
0x6e: {  	v18 =	vld [tilespmem:s2+$0x6420]  }
0x6f: {  	v19 =	vld [tilespmem:s2+$0x6430]  }
0x70: {  	v20 =	vld [tilespmem:s2+$0x6440]  }
0x71: {  	v21 =	vld [tilespmem:s2+$0x6450]  }
0x72: {  	v22 =	vld [tilespmem:s2+$0x6460]  }
0x73: {  	s6 =	sadd.s32 $0x9, s13;
	v23 =	vld [tilespmem:s2+$0x6470]  }
0x74: {  	v24 =	vld [tilespmem:s2+$0x6410];
	_ =	swait.ge [sflag:s6], $0x80  }
0x75: {  	[sflag:s6] =	ssyncset.done $0x0  }
0x76: {  	[sflag:s6] =	ssyncadd.s32 $0xFFFFFF80  }
0x77: {  	s7 =	smulhi.u32 $0x51EB851F, s30;
	v25 =	vld [tilespmem:s2+$0x6800]  }
0x78: {  	v26 =	vld [tilespmem:s2+$0x6810]  }
0x79: {  	s7 =	sshrl.u32 s7, $0x4;
	v27 =	vld [tilespmem:s2+$0x6820]  }
0x7a: {  	s7 =	smul.u32 $0xFFFE7200, s7;
	v28 =	vld [tilespmem:s2+$0x6830]  }
0x7b: {  	v29 =	vld [tilespmem:s2+$0x6840]  }
0x7c: {  	p0 =	sgt.u32 s26, $0xBF;
	v30 =	vld [tilespmem:s2+$0x6850];
	s7 =	sshra.s32 s7, $0x2  }
0x7d: {  	s13 =	simm.s32 @!p0 $0x80;
	v31 =	vld [tilespmem:s2+$0x6860];
	s1 =	sadd.s32 s7, s1;
	s7 =	sor.u32 $0x6400, s2  }
0x7e: {  	v32 =	vld [tilespmem:s2+$0x6870];
	[tilespmem:s7], [sflag:s28] =	stream.indirect.gather @!p0 [hbm4b:s4+s13], $0x1, s1, s13, $0xb8  }
0x7f: {  	s31 =	sshll.u32 s24, $0x7;
	s2 =	sor.u32 $0x6800, s2;
	v7 =	vadd.f32 v17, v7  }
0x80: {  	v13 =	vadd.f32 v24, v13;
	[tilespmem:s2], [sflag:s6] =	stream.indirect.gather @!p0 [hbm4b:s5+s13], $0x1, s1, s13, $0xb8;
	[tilespmem:$0x7020] =	vst v63  }
0x81: {  	v6 =	vadd.f32 v18, v6;
	[tilespmem:s31+$0x6C00] =	vst v7  }
0x82: {  	v4 =	vadd.f32 v19, v4;
	[tilespmem:s31+$0x6C10] =	vst v13  }
0x83: {  	v5 =	vadd.f32 v20, v5;
	[tilespmem:s31+$0x6C20] =	vst v6  }
0x84: {  	v2 =	vadd.f32 v21, v2;
	[tilespmem:s31+$0x6C30] =	vst v4  }
0x85: {  	v3 =	vadd.f32 v22, v3;
	[tilespmem:s31+$0x6C40] =	vst v5  }
0x86: {  	v1 =	vadd.f32 v23, v1;
	[tilespmem:s31+$0x6C50] =	vst v2  }
0x87: {  	v15 =	vadd.f32 v25, v15;
	[tilespmem:s31+$0x6C60] =	vst v3  }
0x88: {  	v59 =	vadd.f32 v26, v14;
	[tilespmem:s31+$0x6C70] =	vst v1  }
0x89: {  	v11 =	vadd.f32 v27, v11;
	[tilespmem:s31+$0x6E00] =	vst v15  }
0x8a: {  	s24 =	sadd.s32 $0x1, s24;
	v60 =	vadd.f32 v28, v12;
	[tilespmem:s31+$0x6E10] =	vst v59  }
0x8b: {  	p0 =	sne.s32 s24, $0x4;
	v61 =	vadd.f32 v29, v10;
	[tilespmem:s31+$0x6E20] =	vst v11  }
.Ltmp1:
0x8c: {  	v0 =	vadd.f32 v16, v0;
	v62 =	vadd.f32 v30, v9;
	[tilespmem:s31+$0x6E30] =	vst v60;
	(pc) =	sbr.rel @p0 .LBB2_2-.Ltmp1, $4  }
0x8d: {  	v63 =	vadd.f32 v31, v8;
	[tilespmem:s31+$0x6E40] =	vst v61  }
0x8e: {  	v0 =	vadd.f32 v32, v0;
	[tilespmem:s31+$0x6E50] =	vst v62  }
0x8f: {  	[tilespmem:s31+$0x6E60] =	vst v63  }
0x90: {  	s23 =	sadd.s32 $0x32, s23;
	s20 =	sadd.s32 $0x6400, s20;
	s21 =	sadd.s32 $0x32, s21;
	[tilespmem:s31+$0x6E70] =	vst v0  }
0x91: {  	v1 =	vld [tilespmem:$0x7000]  }
0x92: {  	s20 =	simm.s32 $0x0;
	v2 =	vld [tilespmem:$0x7010]  }
0x93: {  	v0 =	vld [tilespmem:s20+$0x6C00]  }
0x94: {  	v3 =	vld [tilespmem:s20+$0x6E00];
	_ =	sdelay $0x3  }
0x95: {  	v0 =	vadd.f32 v1, v0  }
0x96: {  	v1 =	vadd.f32 v2, v3  }
0x97: {  	v0 =	vsub.f32 $0.0e+00, v0  }
0x98: {  	v1 =	vsub.f32 $0.0e+00, v1  }
0x99: {  	v0 =	vmul.f32 $1.442695020e+00, v0  }
0x9a: {  	v1 =	vmul.f32 $1.442695020e+00, v1  }
0x9b: {  	(erf) = vpow2.f32 v0  }
0x9c: {  	(erf) = vpow2.f32 v1;
	_ =	sdelay $0x7  }
0x9d: {  	v0 =	vpop (erf)  }
0x9e: {  	v0 =	vadd.f32 $1.000000000e+00, v0;
	v1 =	vpop (erf)  }
0x9f: {  	v1 =	vadd.f32 $1.000000000e+00, v1  }
0xa0: {  	(erf) = vrcp.f32 v0  }
0xa1: {  	(erf) = vrcp.f32 v1;
	_ =	sdelay $0x7  }
0xa2: {  	v0 =	vpop (erf)  }
0xa3: {  	v1 =	vpop (erf)  }
0xa4: {  	v2 =	vmax.f32 v0, v1;
	v3 =	vmin.f32 v0, v1  }
0xa5: {  	v3 =	vsub.f32 v3, v2;
	_ =	sdelay $0x1  }
0xa6: {  	v3 =	vmul.f32 $1.442695020e+00, v3;
	_ =	sdelay $0x1  }
0xa7: {  	(erf) = vpow2.f32 v3;
	_ =	sdelay $0x8  }
0xa8: {  	v3 =	vpop (erf)  }
0xa9: {  	v3 =	vadd.f32 $1.000000000e+00, v3;
	_ =	sdelay $0x1  }
0xaa: {  	v4 =	vadd.f32 $1.000000000e+00, v3;
	_ =	sdelay $0x1  }
0xab: {  	(erf) = vrcp.f32 v4;
	_ =	sdelay $0x7  }
0xac: {  	v3 =	vadd.f32 $-1.000000000e+00, v3  }
0xad: {  	v4 =	vpop (erf)  }
0xae: {  	v3 =	vmul.f32 v4, v3;
	_ =	sdelay $0x1  }
0xaf: {  	v4 =	vmul.f32 v3, v3;
	_ =	sdelay $0x1  }
0xb0: {  	v5 =	vmul.f32 $1.111111120e-01, v4;
	_ =	sdelay $0x1  }
0xb1: {  	v5 =	vadd.f32 $1.428571490e-01, v5;
	_ =	sdelay $0x1  }
0xb2: {  	v5 =	vmul.f32 v5, v4;
	_ =	sdelay $0x1  }
0xb3: {  	v5 =	vadd.f32 $2.000000030e-01, v5;
	_ =	sdelay $0x1  }
0xb4: {  	v5 =	vmul.f32 v5, v4;
	_ =	sdelay $0x1  }
0xb5: {  	v5 =	vadd.f32 $3.333333430e-01, v5;
	_ =	sdelay $0x1  }
0xb6: {  	v4 =	vmul.f32 v5, v4;
	_ =	sdelay $0x1  }
0xb7: {  	v3 =	vadd.f32 v3, v3;
	v4 =	vadd.f32 $1.000000000e+00, v4;
	_ =	sdelay $0x1  }
0xb8: {  	v3 =	vmul.f32 v4, v3;
	_ =	sdelay $0x1  }
0xb9: {  	s21 =	simm.s32 $0x40;
	v2 =	vadd.f32 v3, v2  }
.LBB2_6:
0xba: {  	p0 =	sne.s32 s21, $0x7C0;
	s1 =	smov.u32 s21;
	s21 =	sadd.s32 $0x40, s21  }
0xbb: {  	v0 =	vsub.f32 v0, v2;
	v1 =	vsub.f32 v1, v2;
	_ =	sdelay $0x1  }
0xbc: {  	s1 =	sshra.s32 s1, $0x2;
	[tilespmem:s20+$0x6C00] =	vst v0  }
0xbd: {  	v0 =	vld [tilespmem:s1+$0x6C00];
	[tilespmem:s20+$0x6E00] =	vst v1;
	s20 =	smov.u32 s1  }
0xbe: {  	v1 =	vld [tilespmem:$0x7000]  }
0xbf: {  	v2 =	vld [tilespmem:$0x7010]  }
0xc0: {  	v3 =	vld [tilespmem:s20+$0x6E00];
	_ =	sdelay $0x3  }
0xc1: {  	v0 =	vadd.f32 v1, v0  }
0xc2: {  	v1 =	vadd.f32 v2, v3  }
0xc3: {  	v0 =	vsub.f32 $0.0e+00, v0  }
0xc4: {  	v1 =	vsub.f32 $0.0e+00, v1  }
0xc5: {  	v0 =	vmul.f32 $1.442695020e+00, v0  }
0xc6: {  	v1 =	vmul.f32 $1.442695020e+00, v1  }
0xc7: {  	(erf) = vpow2.f32 v0  }
0xc8: {  	(erf) = vpow2.f32 v1;
	_ =	sdelay $0x7  }
0xc9: {  	v0 =	vpop (erf)  }
0xca: {  	v0 =	vadd.f32 $1.000000000e+00, v0;
	v1 =	vpop (erf)  }
0xcb: {  	v1 =	vadd.f32 $1.000000000e+00, v1  }
0xcc: {  	(erf) = vrcp.f32 v0  }
0xcd: {  	(erf) = vrcp.f32 v1;
	_ =	sdelay $0x7  }
0xce: {  	v0 =	vpop (erf)  }
0xcf: {  	v1 =	vpop (erf)  }
0xd0: {  	v2 =	vmax.f32 v0, v1;
	v3 =	vmin.f32 v0, v1  }
0xd1: {  	v3 =	vsub.f32 v3, v2;
	_ =	sdelay $0x1  }
0xd2: {  	v3 =	vmul.f32 $1.442695020e+00, v3;
	_ =	sdelay $0x1  }
0xd3: {  	(erf) = vpow2.f32 v3;
	_ =	sdelay $0x8  }
0xd4: {  	v3 =	vpop (erf)  }
0xd5: {  	v3 =	vadd.f32 $1.000000000e+00, v3;
	_ =	sdelay $0x1  }
0xd6: {  	v4 =	vadd.f32 $1.000000000e+00, v3;
	_ =	sdelay $0x1  }
0xd7: {  	(erf) = vrcp.f32 v4;
	_ =	sdelay $0x7  }
0xd8: {  	v3 =	vadd.f32 $-1.000000000e+00, v3  }
0xd9: {  	v4 =	vpop (erf)  }
0xda: {  	v3 =	vmul.f32 v4, v3;
	_ =	sdelay $0x1  }
0xdb: {  	v4 =	vmul.f32 v3, v3;
	_ =	sdelay $0x1  }
0xdc: {  	v5 =	vmul.f32 $1.111111120e-01, v4;
	_ =	sdelay $0x1  }
0xdd: {  	v5 =	vadd.f32 $1.428571490e-01, v5;
	_ =	sdelay $0x1  }
0xde: {  	v5 =	vmul.f32 v5, v4;
	_ =	sdelay $0x1  }
0xdf: {  	v5 =	vadd.f32 $2.000000030e-01, v5;
	_ =	sdelay $0x1  }
0xe0: {  	v5 =	vmul.f32 v5, v4;
	_ =	sdelay $0x1  }
0xe1: {  	v5 =	vadd.f32 $3.333333430e-01, v5;
	_ =	sdelay $0x1  }
0xe2: {  	v4 =	vmul.f32 v5, v4;
	_ =	sdelay $0x1  }
.Ltmp2:
0xe3: {  	v3 =	vadd.f32 v3, v3;
	v4 =	vadd.f32 $1.000000000e+00, v4;
	(pc) =	sbr.rel @p0 .LBB2_6-.Ltmp2, $3  }
0xe4: {  	_ = 	snop  }
0xe5: {  	v3 =	vmul.f32 v4, v3;
	_ =	sdelay $0x1  }
0xe6: {  	v2 =	vadd.f32 v3, v2  }
0xe7: {  	_ = 	snop  }
0xe8: {  	v0 =	vsub.f32 v0, v2  }
0xe9: {  	v1 =	vsub.f32 v1, v2  }
0xea: {  	[tilespmem:s20+$0x6C00] =	vst v0  }
0xeb: {  	s1 =	rddreg [dreg:$0x4];
	s2 =	simm.s32 $0x6C00;
	[tilespmem:s20+$0x6E00] =	vst v1  }
0xec: {  	[hbm4b:s1+s3] =	stream.linear.scatter [tilespmem:s2], [sflag:$0x11], $0x200, $0x38;
	[tilespmem:$0x7020] =	vst v63  }
0xed: {  	s18 =	sadd.s32 $0x1, s18;
	_ =	swait.ge [sflag:s12], $0x200  }
0xee: {  	p0 =	sne.s32 s18, s9;
	[sflag:s12] =	ssyncset.done $0x0  }
.Ltmp3:
0xef: {  	s31 =	simm.s32 $0x6E00;
	[sflag:s12] =	ssyncadd.s32 $0xFFFFFE00;
	(pc) =	sbr.rel @p0 .LBB2_1-.Ltmp3, $4  }
0xf0: {  	[hbm4b:s8+s3] =	stream.linear.scatter [tilespmem:s31], [sflag:$0x11], $0x200, $0x38;
	[tilespmem:$0x7020] =	vst v63  }
0xf1: {  	_ =	swait.ge [sflag:s12], $0x200  }
0xf2: {  	[sflag:s12] =	ssyncset.done $0x0  }
0xf3: {  	[sflag:s12] =	ssyncadd.s32 $0xFFFFFE00  }
0xf4: {  	_ =	sfence.sel $0x180000  }
0xf5: {  	[bflag:$0x0] =	sbarrier.arrive $0xFFFF  }
0xf6: {  	_ =	strace $0x90000047  }
0xf7: {  	s0 =	stileid.u32;
	[bflag:$0x2] =	sbarrier.arrive $0xFFFF  }
0xf8: {  	p0 =	sne.s32 s0, $0x0;
	s0 =	rddreg [dreg:$0x2]  }
0xf9: {  	s0 =	sadd.s32 @!p0 $0x100000, s0  }
0xfa: {  	[sflag:s0] =	ssyncadd.tile.s32 @!p0 $0x1;
	_ =	shalt  }
.Lfunc_end2:
_tile_overlayer_lowered:
.L_overlay_start_2:
0xfb: {  	(tag) =	ssettag $0x2  }
0xfc: {  	s0 =	rddreg [dreg:$0x0];
	s2 =	stileid.u32  }
0xfd: {  	s1 =	rddreg [dreg:$0x1];
	p0 =	sne.s32 s2, $0x0  }
0xfe: {  	s3 =	rddreg [dreg:$0x2];
	[bflag:$0x3] =	sbarrier.arrive $0xFFFF;
	s2 =	simm.s32 @!p0 $0x1C11  }
0xff: {  	[timem:s3], [sflag:s2] =	dma.local @!p0 [hbm:s0], s1  }
0x100: {  	s0 =	simm.s32 @!p0 $0x11  }
0x101: {  	_ =	swait.ge @!p0 [sflag:s0], s1  }
0x102: {  	s1 =	ssub.s32 @!p0 $0x0, s1;
	[sflag:s0] =	ssyncset.done @!p0 $0x0  }
0x103: {  	[sflag:s0] =	ssyncadd.s32 @!p0 s1  }
0x104: {  	[bflag:$0x3] =	sbarrier.arrive $0xFFFF  }
0x105: {  	_ =	shalt  }

</sc_bundles>
